<compile_context>
chip_gen: v7x
topology: tpu7x:2x2x1
jax: 0.10.2.dev20260603
libtpu: 0.0.44.dev20260713+nightly
codegen_flags: <defaults>
</compile_context>

<pallas_src>
import functools

import jax
import jax.numpy as jnp
from jax import lax
from jax.experimental import pallas as pl
from jax.experimental.pallas import tpu as pltpu
from jax.experimental.pallas import tpu_sc as plsc

B, S, D, H = 8, 512, 768, 12
T = 8
E, K = 16, 2
FF = 4 * D
DH = D // H
HT = H * T
N = B * T
CH = 1536
BPG = 4
NCH = FF // CH


def _attn_body(x_ref, probe_ref, wq_ref, bq_ref, wk_ref, bk_ref, wv_ref,
               bv_ref, wo_ref, bo_ref, lng_ref, lnb_ref, gw_ref, gb_ref,
               resid_ref, tok_ref, attnw_ref, logit_ref, comb_ref,
               u_s, c_s, logit_s):
    b = pl.program_id(0)

    @pl.when(b == 0)
    def _prologue():
        p = probe_ref[0]
        q_full = jax.lax.dot_general(
            p, wq_ref[...], (((1,), (0,)), ((), ()))) + bq_ref[...]
        q_rep = jnp.broadcast_to(q_full[None], (H, T, D)).reshape(HT, D)
        row_h = jax.lax.broadcasted_iota(jnp.int32, (HT, D), 0) // T
        col_h = jax.lax.broadcasted_iota(jnp.int32, (HT, D), 1) // DH
        q_exp = jnp.where(row_h == col_h, q_rep, 0.0)
        u_s[...] = jax.lax.dot_general(
            q_exp, wk_ref[...], (((1,), (1,)), ((), ())))
        c = jnp.sum(q_exp * bk_ref[...], axis=1, keepdims=True)
        c_s[...] = jnp.broadcast_to(c, (HT, 128))

    scale = 1.0 / jnp.sqrt(jnp.float32(DH))
    ws = []
    pooleds = []
    for i in range(BPG):
        x_b = x_ref[i]
        st = (jax.lax.dot_general(u_s[...], x_b, (((1,), (1,)), ((), ())))
              + c_s[:, :1]) * scale
        m = jnp.max(st, axis=1, keepdims=True)
        ex = jnp.exp(st - m)
        w = ex / jnp.sum(ex, axis=1, keepdims=True)
        ws.append(w.reshape(1, H, T, S))
        pooleds.append(jax.lax.dot_general(w, x_b, (((1,), (0,)), ((), ()))))
    attnw_ref[...] = jnp.concatenate(ws, axis=0)
    pooled = jnp.concatenate(pooleds, axis=0)

    z = jax.lax.dot_general(pooled, wv_ref[...], (((1,), (0,)), ((), ())))
    z4 = z.reshape(BPG, H, T, D)
    hsel = (jax.lax.broadcasted_iota(jnp.int32, (BPG, H, T, D), 1)
            == jax.lax.broadcasted_iota(jnp.int32, (BPG, H, T, D), 3) // DH)
    ctx = (jnp.sum(jnp.where(hsel, z4, 0.0), axis=1).reshape(BPG * T, D)
           + bv_ref[...])

    attn_out = jax.lax.dot_general(
        ctx, wo_ref[...], (((1,), (0,)), ((), ()))) + bo_ref[...]
    resid_ref[...] = attn_out.reshape(BPG, T, D)

    mu = jnp.mean(attn_out, axis=1, keepdims=True)
    dev = attn_out - mu
    var = jnp.mean(dev * dev, axis=1, keepdims=True)
    tok = dev * jax.lax.rsqrt(var + 1e-5) * lng_ref[...] + lnb_ref[...]
    tok_ref[...] = tok.reshape(BPG, T, D)

    logits = jax.lax.dot_general(
        tok, gw_ref[...], (((1,), (0,)), ((), ()))) + gb_ref[...]
    logit_ref[...] = logits.reshape(BPG, T, E)
    logit_s[pl.ds(b * BPG * T, BPG * T), :] = logits

    @pl.when(b == B // BPG - 1)
    def _combine():
        lg = logit_s[...]
        mm = jnp.max(lg, axis=1, keepdims=True)
        el = jnp.exp(lg - mm)
        probs = el / jnp.sum(el, axis=1, keepdims=True)
        iota = jax.lax.broadcasted_iota(jnp.int32, (N, E), 1)
        v1 = jnp.max(probs, axis=1, keepdims=True)
        i1 = jnp.min(jnp.where(probs == v1, iota, E), axis=1, keepdims=True)
        p2 = jnp.where(iota == i1, -1.0, probs)
        v2 = jnp.max(p2, axis=1, keepdims=True)
        i2 = jnp.min(jnp.where(p2 == v2, iota, E), axis=1, keepdims=True)
        denom = v1 + v2
        comb_ref[...] = (jnp.where(iota == i1, v1 / denom, 0.0)
                         + jnp.where(iota == i2, v2 / denom, 0.0))


def _route_body(logits_hbm, load_hbm, loss_hbm, lg_v, stat_v, sem):
    cid = lax.axis_index("c")
    sid = lax.axis_index("s")

    @pl.when((cid == 0) & (sid == 0))
    def _():
        pltpu.sync_copy(logits_hbm, lg_v)
        iota = lax.broadcasted_iota(jnp.int32, (E,), 0)

        def allred(v, op):
            for k_ in (1, 2, 4, 8):
                v = op(v, v.at[iota ^ k_].get(mode="promise_in_bounds"))
            return v

        def body(i, carry):
            load_acc, psum_acc = carry
            row = lg_v[i]
            m = allred(row, jnp.maximum)
            ex = jnp.exp(row - m)
            probs = ex / allred(ex, jnp.add)
            v1 = allred(probs, jnp.maximum)
            i1 = allred(jnp.where(probs == v1, iota, E), jnp.minimum)
            is1 = iota == i1
            p2 = jnp.where(is1, -1.0, probs)
            v2 = allred(p2, jnp.maximum)
            i2 = allred(jnp.where(p2 == v2, iota, E), jnp.minimum)
            mask = jnp.where(is1 | (iota == i2), 1.0, 0.0)
            return load_acc + mask, psum_acc + probs

        zero = jnp.zeros((E,), jnp.float32)
        load, psum = lax.fori_loop(0, N, body, (zero, zero))
        stat_v[0] = load
        stat_v[1] = allred((load / N) * (psum / N), jnp.add) * E
        pltpu.sync_copy(stat_v.at[0], load_hbm)
        pltpu.sync_copy(stat_v.at[1], loss_hbm)


def _ffn_body(tok_ref, comb_ref, resid_ref, w1_ref, b1_ref, w2_ref, b2_ref,
              out_ref):
    e = pl.program_id(0)
    c = pl.program_id(1)

    @pl.when((e == 0) & (c == 0))
    def _init():
        out_ref[...] = resid_ref[...]

    onehot = (jax.lax.broadcasted_iota(jnp.int32, (E, 1), 0) == e
              ).astype(jnp.float32)
    comb = jax.lax.dot_general(
        comb_ref[...], onehot, (((1,), (0,)), ((), ())))

    h = jax.lax.dot_general(
        tok_ref[...], w1_ref[0], (((1,), (0,)), ((), ()))) + b1_ref[0]
    g = jax.nn.gelu(h) * comb

    @pl.when(c == 0)
    def _bias2():
        out_ref[...] += comb * b2_ref[0]

    out_ref[...] += jax.lax.dot_general(
        g, w2_ref[0], (((1,), (0,)), ((), ())))


def kernel(x, probe, Wq, bq, Wk, bk, Wv, bv, Wo, bo, ln_g, ln_b,
           gate_W, gate_b, fc1_W, fc1_b, fc2_W, fc2_b):
    f32 = jnp.float32
    row = lambda v: v.reshape(1, -1)

    attn = pl.pallas_call(
        _attn_body,
        grid=(B // BPG,),
        in_specs=[
            pl.BlockSpec((BPG, S, D), lambda b: (b, 0, 0)),
            pl.BlockSpec((1, T, D), lambda b: (0, 0, 0)),
            pl.BlockSpec((D, D), lambda b: (0, 0)),
            pl.BlockSpec((1, D), lambda b: (0, 0)),
            pl.BlockSpec((D, D), lambda b: (0, 0)),
            pl.BlockSpec((1, D), lambda b: (0, 0)),
            pl.BlockSpec((D, D), lambda b: (0, 0)),
            pl.BlockSpec((1, D), lambda b: (0, 0)),
            pl.BlockSpec((D, D), lambda b: (0, 0)),
            pl.BlockSpec((1, D), lambda b: (0, 0)),
            pl.BlockSpec((1, D), lambda b: (0, 0)),
            pl.BlockSpec((1, D), lambda b: (0, 0)),
            pl.BlockSpec((D, E), lambda b: (0, 0)),
            pl.BlockSpec((1, E), lambda b: (0, 0)),
        ],
        out_specs=[
            pl.BlockSpec((BPG, T, D), lambda b: (b, 0, 0)),
            pl.BlockSpec((BPG, T, D), lambda b: (b, 0, 0)),
            pl.BlockSpec((BPG, H, T, S), lambda b: (b, 0, 0, 0)),
            pl.BlockSpec((BPG, T, E), lambda b: (b, 0, 0)),
            pl.BlockSpec((N, E), lambda b: (0, 0)),
        ],
        out_shape=[
            jax.ShapeDtypeStruct((B, T, D), f32),
            jax.ShapeDtypeStruct((B, T, D), f32),
            jax.ShapeDtypeStruct((B, H, T, S), f32),
            jax.ShapeDtypeStruct((B, T, E), f32),
            jax.ShapeDtypeStruct((N, E), f32),
        ],
        scratch_shapes=[
            pltpu.VMEM((HT, D), f32),
            pltpu.VMEM((HT, 128), f32),
            pltpu.VMEM((N, E), f32),
        ],
    )
    residual, tokens, attn_w, logits, combine = attn(
        x, probe, Wq, row(bq), Wk, row(bk), Wv, row(bv), Wo, row(bo),
        row(ln_g), row(ln_b), gate_W, row(gate_b))

    route = functools.partial(
        pl.kernel,
        out_type=[
            jax.ShapeDtypeStruct((E,), f32),
            jax.ShapeDtypeStruct((E,), f32),
        ],
        mesh=plsc.VectorSubcoreMesh(core_axis_name="c", subcore_axis_name="s"),
        scratch_types=[
            pltpu.VMEM((N, E), f32),
            pltpu.VMEM((2, E), f32),
            pltpu.SemaphoreType.DMA,
        ],
    )(_route_body)
    expert_load, loss_vec = route(logits.reshape(N, E))

    ffn = pl.pallas_call(
        _ffn_body,
        grid=(E, NCH),
        in_specs=[
            pl.BlockSpec((N, D), lambda e, c: (0, 0)),
            pl.BlockSpec((N, E), lambda e, c: (0, 0)),
            pl.BlockSpec((N, D), lambda e, c: (0, 0)),
            pl.BlockSpec((1, D, CH), lambda e, c: (e, 0, c)),
            pl.BlockSpec((1, 1, CH), lambda e, c: (e, 0, c)),
            pl.BlockSpec((1, CH, D), lambda e, c: (e, c, 0)),
            pl.BlockSpec((1, 1, D), lambda e, c: (e, 0, 0)),
        ],
        out_specs=pl.BlockSpec((N, D), lambda e, c: (0, 0)),
        out_shape=jax.ShapeDtypeStruct((N, D), f32),
    )
    final = ffn(tokens.reshape(N, D), combine, residual.reshape(N, D),
                fc1_W, fc1_b.reshape(E, 1, FF), fc2_W, fc2_b.reshape(E, 1, D))

    return (final.reshape(B, T, D), loss_vec[0], expert_load, attn_w)

# --- scband reference (transcript-rebuilt; emitter-appended) ---
"""Pipeline reference for scband-mo-eattention-pooling-77970836291866 (READ-ONLY COPY).

The authoritative reference and input builder live on the scoring server;
editing this copy changes nothing except your own understanding.
"""

import jax, jax.numpy as jnp
import numpy as np

B, S, D, H = 8, 512, 768, 12
T = 8          # num_tasks (probe queries)
E, K = 16, 2   # num_experts, top_k
FF = 4 * D     # expert hidden dim
DH = D // H


def setup_inputs(seed: int = 0) -> dict:
    key = jax.random.key(seed)
    ks = jax.random.split(key, 24)
    s = 0.02
    inp = {
        "x": jax.random.normal(ks[0], (B, S, D), jnp.float32),
        "probe": jax.random.normal(ks[1], (1, T, D), jnp.float32) * s,
        "Wq": jax.random.normal(ks[2], (D, D), jnp.float32) * s,
        "bq": jnp.zeros((D,), jnp.float32),
        "Wk": jax.random.normal(ks[3], (D, D), jnp.float32) * s,
        "bk": jnp.zeros((D,), jnp.float32),
        "Wv": jax.random.normal(ks[4], (D, D), jnp.float32) * s,
        "bv": jnp.zeros((D,), jnp.float32),
        "Wo": jax.random.normal(ks[5], (D, D), jnp.float32) * s,
        "bo": jnp.zeros((D,), jnp.float32),
        "ln_g": jnp.ones((D,), jnp.float32),
        "ln_b": jnp.zeros((D,), jnp.float32),
        "gate_W": jax.random.normal(ks[6], (D, E), jnp.float32) * s,
        "gate_b": jnp.zeros((E,), jnp.float32),
        "fc1_W": jax.random.normal(ks[7], (E, D, FF), jnp.float32) * s,
        "fc1_b": jnp.zeros((E, FF), jnp.float32),
        "fc2_W": jax.random.normal(ks[8], (E, FF, D), jnp.float32) * s,
        "fc2_b": jnp.zeros((E, D), jnp.float32),
    }
    return inp


def _layernorm(x, g, b, eps=1e-5):
    mu = jnp.mean(x, axis=-1, keepdims=True)
    var = jnp.var(x, axis=-1, keepdims=True)
    return (x - mu) / jnp.sqrt(var + eps) * g + b


def reference(x, probe, Wq, bq, Wk, bk, Wv, bv, Wo, bo, ln_g, ln_b,
              gate_W, gate_b, fc1_W, fc1_b, fc2_W, fc2_b):
    b = x.shape[0]
    # probe.repeat(batch, 1, 1)
    p = jnp.broadcast_to(probe, (b, T, D))
    # multi-head cross attention: probe queries attend to x
    q = (p @ Wq + bq).reshape(b, T, H, DH).transpose(0, 2, 1, 3)
    k = (x @ Wk + bk).reshape(b, S, H, DH).transpose(0, 2, 1, 3)
    v = (x @ Wv + bv).reshape(b, S, H, DH).transpose(0, 2, 1, 3)
    scores = jnp.einsum('bhtd,bhsd->bhts', q, k) / jnp.sqrt(DH).astype(jnp.float32)
    attn_w = jax.nn.softmax(scores, axis=-1)
    ctx = jnp.einsum('bhts,bhsd->bhtd', attn_w, v)
    ctx = ctx.transpose(0, 2, 1, 3).reshape(b, T, D)
    attn_output = ctx @ Wo + bo

    residual = attn_output
    ln_out = _layernorm(attn_output, ln_g, ln_b)

    # MoE layer (task-agnostic gate, top-k routing)
    tokens = ln_out.reshape(b * T, D)
    N = tokens.shape[0]
    logits = tokens @ gate_W + gate_b
    probs = jax.nn.softmax(logits, axis=-1)
    top_v, top_i = jax.lax.top_k(probs, K)
    top_v = top_v / jnp.sum(top_v, axis=-1, keepdims=True)
    rows = jnp.arange(N)[:, None]
    combine = jnp.zeros((N, E), jnp.float32).at[rows, top_i].add(top_v)
    # dense expert evaluation, sparse combine (faithful math)
    h = jnp.einsum('nd,edf->nef', tokens, fc1_W) + fc1_b
    h = jax.nn.gelu(h)
    y = jnp.einsum('nef,efd->ned', h, fc2_W) + fc2_b
    moe_out = jnp.einsum('ne,ned->nd', combine, y).reshape(b, T, D)

    # load-balancing aux loss (Switch-style)
    mask = jnp.zeros((N, E), jnp.float32).at[rows, top_i].set(1.0)
    f = jnp.mean(mask, axis=0)
    P = jnp.mean(probs, axis=0)
    moe_loss = E * jnp.sum(f * P)
    expert_load = jnp.sum(mask, axis=0)

    final_output = residual + moe_out
    return (final_output, moe_loss, expert_load, attn_w)

if __name__ == "__main__":
    import jax
    _d = setup_inputs()
    print(jax.jit(kernel)(*tuple(_d.values())))

</pallas_src>

<mosaic_0001>
#map = affine_map<(d0, d1) -> (0, 0)>
#map1 = affine_map<(d0, d1) -> (0)>
module attributes {stable_mosaic.version = 14 : i64} {
  func.func @_route_body(%arg0: i32, %arg1: i32, %arg2: memref<64x16xf32, #tpu.memory_space<hbm>>, %arg3: memref<16xf32, #tpu.memory_space<hbm>>, %arg4: memref<16xf32, #tpu.memory_space<hbm>>, %arg5: memref<64x16xf32, #tpu.memory_space<vmem>>, %arg6: memref<2x16xf32, #tpu.memory_space<vmem>>, %arg7: memref<!tpu.dma_semaphore, #tpu.memory_space<semaphore_mem>>) attributes {dimension_semantics = [#tpu.dimension_semantics<core_parallel>, #tpu.dimension_semantics<subcore_parallel>], iteration_bounds = array<i64: 2, 16>, scalar_prefetch = 0 : i64, scratch_operands = 3 : i64, tpu.core_type = #tpu.core_type<sc_vector_subcore>, window_params = [{transform_indices = #map}, {transform_indices = #map1}, {transform_indices = #map1}]} {
    %eq3A = arith.constant 0 : i32
    %eq3A_0 = arith.cmpi eq, %arg0, %eq3A : i32
    %eq3A_1 = arith.constant 0 : i32
    %eq3A_2 = arith.cmpi eq, %arg1, %eq3A_1 : i32
    %and3A = arith.andi %eq3A_0, %eq3A_2 : i1
    %convert_element_type3A = arith.extui %and3A : i1 to i32
    %cond3A = arith.constant 0 : i32
    %cond3A_3 = arith.cmpi ne, %convert_element_type3A, %cond3A : i32
    scf.if %cond3A_3 {
      "tpu.region"() ({
        %run_scoped3A_81 = tpu.sem_alloc : memref<!tpu.dma_semaphore, #tpu.memory_space<semaphore_mem>>
        tpu.enqueue_dma source(%arg2 : memref<64x16xf32, #tpu.memory_space<hbm>>) target(%arg5 : memref<64x16xf32, #tpu.memory_space<vmem>>) target_semaphore(%run_scoped3A_81 : memref<!tpu.dma_semaphore, #tpu.memory_space<semaphore_mem>>)
        tpu.wait_dma2 semaphore(%run_scoped3A_81 : memref<!tpu.dma_semaphore, #tpu.memory_space<semaphore_mem>>) src(%arg2 : memref<64x16xf32, #tpu.memory_space<hbm>>) dst(%arg5 : memref<64x16xf32, #tpu.memory_space<vmem>>)
        tpu.yield
      }) : () -> ()
      %iota3A = tpu.iota {dimensions = array<i32: 0>} : vector<16xi32>
      %broadcast_in_dim3A = arith.constant 0.000000e+00 : f32
      %broadcast_in_dim3A_4 = vector.broadcast %broadcast_in_dim3A : f32 to vector<16xf32>
      %scan3A = arith.constant 0 : i32
      %scan3A_5 = arith.constant 64 : i32
      %scan3A_6 = arith.addi %scan3A, %scan3A_5 : i32
      %scan3A_7 = arith.constant 1 : i32
      %scan3A_8:2 = scf.for %scan3A_81 = %scan3A to %scan3A_6 step %scan3A_7 iter_args(%scan3A_82 = %broadcast_in_dim3A_4, %scan3A_83 = %broadcast_in_dim3A_4) -> (vector<16xf32>, vector<16xf32>)  : i32 {
        %get3A = arith.index_cast %scan3A_81 : i32 to index
        %get3A_84 = arith.constant 0 : index
        %get3A_85 = tpu.vector_load %arg5[%get3A, %get3A_84] {strides = array<i32>} : memref<64x16xf32, #tpu.memory_space<vmem>>, vector<1x16xf32>,
        %get3A_86 = vector.shape_cast %get3A_85 : vector<1x16xf32> to vector<16xf32>
        %xor3A_87 = arith.constant 1 : i32
        %xor3A_88 = vector.broadcast %xor3A_87 : i32 to vector<16xi32>
        %xor3A_89 = arith.xori %iota3A, %xor3A_88 : vector<16xi32>
        %lt3A_90 = arith.constant 0 : i32
        %lt3A_91 = vector.broadcast %lt3A_90 : i32 to vector<16xi32>
        %lt3A_92 = arith.cmpi slt, %xor3A_89, %lt3A_91 : vector<16xi32>
        %add3A_93 = arith.constant 16 : i32
        %add3A_94 = vector.broadcast %add3A_93 : i32 to vector<16xi32>
        %add3A_95 = arith.addi %xor3A_89, %add3A_94 : vector<16xi32>
        %select_n3A_96 = arith.select %lt3A_92, %add3A_95, %xor3A_89 : vector<16xi1>, vector<16xi32>
        %broadcast_in_dim3A_97 = vector.shape_cast %select_n3A_96 : vector<16xi32> to vector<16x1xi32>
        %gather3A_98 = vector.shape_cast %broadcast_in_dim3A_97 : vector<16x1xi32> to vector<16xi32>
        %gather3A_99 = tpu.dynamic_gather %get3A_86[%gather3A_98] in [0] : vector<16xf32>, vector<16xi32> -> vector<16xf32>
        %max3A = arith.maximumf %get3A_86, %gather3A_99 : vector<16xf32>
        %xor3A_100 = arith.constant 2 : i32
        %xor3A_101 = vector.broadcast %xor3A_100 : i32 to vector<16xi32>
        %xor3A_102 = arith.xori %iota3A, %xor3A_101 : vector<16xi32>
        %lt3A_103 = arith.constant 0 : i32
        %lt3A_104 = vector.broadcast %lt3A_103 : i32 to vector<16xi32>
        %lt3A_105 = arith.cmpi slt, %xor3A_102, %lt3A_104 : vector<16xi32>
        %add3A_106 = arith.constant 16 : i32
        %add3A_107 = vector.broadcast %add3A_106 : i32 to vector<16xi32>
        %add3A_108 = arith.addi %xor3A_102, %add3A_107 : vector<16xi32>
        %select_n3A_109 = arith.select %lt3A_105, %add3A_108, %xor3A_102 : vector<16xi1>, vector<16xi32>
        %broadcast_in_dim3A_110 = vector.shape_cast %select_n3A_109 : vector<16xi32> to vector<16x1xi32>
        %gather3A_111 = vector.shape_cast %broadcast_in_dim3A_110 : vector<16x1xi32> to vector<16xi32>
        %gather3A_112 = tpu.dynamic_gather %max3A[%gather3A_111] in [0] : vector<16xf32>, vector<16xi32> -> vector<16xf32>
        %max3A_113 = arith.maximumf %max3A, %gather3A_112 : vector<16xf32>
        %xor3A_114 = arith.constant 4 : i32
        %xor3A_115 = vector.broadcast %xor3A_114 : i32 to vector<16xi32>
        %xor3A_116 = arith.xori %iota3A, %xor3A_115 : vector<16xi32>
        %lt3A_117 = arith.constant 0 : i32
        %lt3A_118 = vector.broadcast %lt3A_117 : i32 to vector<16xi32>
        %lt3A_119 = arith.cmpi slt, %xor3A_116, %lt3A_118 : vector<16xi32>
        %add3A_120 = arith.constant 16 : i32
        %add3A_121 = vector.broadcast %add3A_120 : i32 to vector<16xi32>
        %add3A_122 = arith.addi %xor3A_116, %add3A_121 : vector<16xi32>
        %select_n3A_123 = arith.select %lt3A_119, %add3A_122, %xor3A_116 : vector<16xi1>, vector<16xi32>
        %broadcast_in_dim3A_124 = vector.shape_cast %select_n3A_123 : vector<16xi32> to vector<16x1xi32>
        %gather3A_125 = vector.shape_cast %broadcast_in_dim3A_124 : vector<16x1xi32> to vector<16xi32>
        %gather3A_126 = tpu.dynamic_gather %max3A_113[%gather3A_125] in [0] : vector<16xf32>, vector<16xi32> -> vector<16xf32>
        %max3A_127 = arith.maximumf %max3A_113, %gather3A_126 : vector<16xf32>
        %xor3A_128 = arith.constant 8 : i32
        %xor3A_129 = vector.broadcast %xor3A_128 : i32 to vector<16xi32>
        %xor3A_130 = arith.xori %iota3A, %xor3A_129 : vector<16xi32>
        %lt3A_131 = arith.constant 0 : i32
        %lt3A_132 = vector.broadcast %lt3A_131 : i32 to vector<16xi32>
        %lt3A_133 = arith.cmpi slt, %xor3A_130, %lt3A_132 : vector<16xi32>
        %add3A_134 = arith.constant 16 : i32
        %add3A_135 = vector.broadcast %add3A_134 : i32 to vector<16xi32>
        %add3A_136 = arith.addi %xor3A_130, %add3A_135 : vector<16xi32>
        %select_n3A_137 = arith.select %lt3A_133, %add3A_136, %xor3A_130 : vector<16xi1>, vector<16xi32>
        %broadcast_in_dim3A_138 = vector.shape_cast %select_n3A_137 : vector<16xi32> to vector<16x1xi32>
        %gather3A_139 = vector.shape_cast %broadcast_in_dim3A_138 : vector<16x1xi32> to vector<16xi32>
        %gather3A_140 = tpu.dynamic_gather %max3A_127[%gather3A_139] in [0] : vector<16xf32>, vector<16xi32> -> vector<16xf32>
        %max3A_141 = arith.maximumf %max3A_127, %gather3A_140 : vector<16xf32>
        %sub3A = arith.subf %get3A_86, %max3A_141 : vector<16xf32>
        %exp3A = math.exp %sub3A : vector<16xf32>
        %xor3A_142 = arith.constant 1 : i32
        %xor3A_143 = vector.broadcast %xor3A_142 : i32 to vector<16xi32>
        %xor3A_144 = arith.xori %iota3A, %xor3A_143 : vector<16xi32>
        %lt3A_145 = arith.constant 0 : i32
        %lt3A_146 = vector.broadcast %lt3A_145 : i32 to vector<16xi32>
        %lt3A_147 = arith.cmpi slt, %xor3A_144, %lt3A_146 : vector<16xi32>
        %add3A_148 = arith.constant 16 : i32
        %add3A_149 = vector.broadcast %add3A_148 : i32 to vector<16xi32>
        %add3A_150 = arith.addi %xor3A_144, %add3A_149 : vector<16xi32>
        %select_n3A_151 = arith.select %lt3A_147, %add3A_150, %xor3A_144 : vector<16xi1>, vector<16xi32>
        %broadcast_in_dim3A_152 = vector.shape_cast %select_n3A_151 : vector<16xi32> to vector<16x1xi32>
        %gather3A_153 = vector.shape_cast %broadcast_in_dim3A_152 : vector<16x1xi32> to vector<16xi32>
        %gather3A_154 = tpu.dynamic_gather %exp3A[%gather3A_153] in [0] : vector<16xf32>, vector<16xi32> -> vector<16xf32>
        %add3A_155 = arith.addf %exp3A, %gather3A_154 : vector<16xf32>
        %xor3A_156 = arith.constant 2 : i32
        %xor3A_157 = vector.broadcast %xor3A_156 : i32 to vector<16xi32>
        %xor3A_158 = arith.xori %iota3A, %xor3A_157 : vector<16xi32>
        %lt3A_159 = arith.constant 0 : i32
        %lt3A_160 = vector.broadcast %lt3A_159 : i32 to vector<16xi32>
        %lt3A_161 = arith.cmpi slt, %xor3A_158, %lt3A_160 : vector<16xi32>
        %add3A_162 = arith.constant 16 : i32
        %add3A_163 = vector.broadcast %add3A_162 : i32 to vector<16xi32>
        %add3A_164 = arith.addi %xor3A_158, %add3A_163 : vector<16xi32>
        %select_n3A_165 = arith.select %lt3A_161, %add3A_164, %xor3A_158 : vector<16xi1>, vector<16xi32>
        %broadcast_in_dim3A_166 = vector.shape_cast %select_n3A_165 : vector<16xi32> to vector<16x1xi32>
        %gather3A_167 = vector.shape_cast %broadcast_in_dim3A_166 : vector<16x1xi32> to vector<16xi32>
        %gather3A_168 = tpu.dynamic_gather %add3A_155[%gather3A_167] in [0] : vector<16xf32>, vector<16xi32> -> vector<16xf32>
        %add3A_169 = arith.addf %add3A_155, %gather3A_168 : vector<16xf32>
        %xor3A_170 = arith.constant 4 : i32
        %xor3A_171 = vector.broadcast %xor3A_170 : i32 to vector<16xi32>
        %xor3A_172 = arith.xori %iota3A, %xor3A_171 : vector<16xi32>
        %lt3A_173 = arith.constant 0 : i32
        %lt3A_174 = vector.broadcast %lt3A_173 : i32 to vector<16xi32>
        %lt3A_175 = arith.cmpi slt, %xor3A_172, %lt3A_174 : vector<16xi32>
        %add3A_176 = arith.constant 16 : i32
        %add3A_177 = vector.broadcast %add3A_176 : i32 to vector<16xi32>
        %add3A_178 = arith.addi %xor3A_172, %add3A_177 : vector<16xi32>
        %select_n3A_179 = arith.select %lt3A_175, %add3A_178, %xor3A_172 : vector<16xi1>, vector<16xi32>
        %broadcast_in_dim3A_180 = vector.shape_cast %select_n3A_179 : vector<16xi32> to vector<16x1xi32>
        %gather3A_181 = vector.shape_cast %broadcast_in_dim3A_180 : vector<16x1xi32> to vector<16xi32>
        %gather3A_182 = tpu.dynamic_gather %add3A_169[%gather3A_181] in [0] : vector<16xf32>, vector<16xi32> -> vector<16xf32>
        %add3A_183 = arith.addf %add3A_169, %gather3A_182 : vector<16xf32>
        %xor3A_184 = arith.constant 8 : i32
        %xor3A_185 = vector.broadcast %xor3A_184 : i32 to vector<16xi32>
        %xor3A_186 = arith.xori %iota3A, %xor3A_185 : vector<16xi32>
        %lt3A_187 = arith.constant 0 : i32
        %lt3A_188 = vector.broadcast %lt3A_187 : i32 to vector<16xi32>
        %lt3A_189 = arith.cmpi slt, %xor3A_186, %lt3A_188 : vector<16xi32>
        %add3A_190 = arith.constant 16 : i32
        %add3A_191 = vector.broadcast %add3A_190 : i32 to vector<16xi32>
        %add3A_192 = arith.addi %xor3A_186, %add3A_191 : vector<16xi32>
        %select_n3A_193 = arith.select %lt3A_189, %add3A_192, %xor3A_186 : vector<16xi1>, vector<16xi32>
        %broadcast_in_dim3A_194 = vector.shape_cast %select_n3A_193 : vector<16xi32> to vector<16x1xi32>
        %gather3A_195 = vector.shape_cast %broadcast_in_dim3A_194 : vector<16x1xi32> to vector<16xi32>
        %gather3A_196 = tpu.dynamic_gather %add3A_183[%gather3A_195] in [0] : vector<16xf32>, vector<16xi32> -> vector<16xf32>
        %add3A_197 = arith.addf %add3A_183, %gather3A_196 : vector<16xf32>
        %div3A_198 = arith.divf %exp3A, %add3A_197 : vector<16xf32>
        %xor3A_199 = arith.constant 1 : i32
        %xor3A_200 = vector.broadcast %xor3A_199 : i32 to vector<16xi32>
        %xor3A_201 = arith.xori %iota3A, %xor3A_200 : vector<16xi32>
        %lt3A_202 = arith.constant 0 : i32
        %lt3A_203 = vector.broadcast %lt3A_202 : i32 to vector<16xi32>
        %lt3A_204 = arith.cmpi slt, %xor3A_201, %lt3A_203 : vector<16xi32>
        %add3A_205 = arith.constant 16 : i32
        %add3A_206 = vector.broadcast %add3A_205 : i32 to vector<16xi32>
        %add3A_207 = arith.addi %xor3A_201, %add3A_206 : vector<16xi32>
        %select_n3A_208 = arith.select %lt3A_204, %add3A_207, %xor3A_201 : vector<16xi1>, vector<16xi32>
        %broadcast_in_dim3A_209 = vector.shape_cast %select_n3A_208 : vector<16xi32> to vector<16x1xi32>
        %gather3A_210 = vector.shape_cast %broadcast_in_dim3A_209 : vector<16x1xi32> to vector<16xi32>
        %gather3A_211 = tpu.dynamic_gather %div3A_198[%gather3A_210] in [0] : vector<16xf32>, vector<16xi32> -> vector<16xf32>
        %max3A_212 = arith.maximumf %div3A_198, %gather3A_211 : vector<16xf32>
        %xor3A_213 = arith.constant 2 : i32
        %xor3A_214 = vector.broadcast %xor3A_213 : i32 to vector<16xi32>
        %xor3A_215 = arith.xori %iota3A, %xor3A_214 : vector<16xi32>
        %lt3A_216 = arith.constant 0 : i32
        %lt3A_217 = vector.broadcast %lt3A_216 : i32 to vector<16xi32>
        %lt3A_218 = arith.cmpi slt, %xor3A_215, %lt3A_217 : vector<16xi32>
        %add3A_219 = arith.constant 16 : i32
        %add3A_220 = vector.broadcast %add3A_219 : i32 to vector<16xi32>
        %add3A_221 = arith.addi %xor3A_215, %add3A_220 : vector<16xi32>
        %select_n3A_222 = arith.select %lt3A_218, %add3A_221, %xor3A_215 : vector<16xi1>, vector<16xi32>
        %broadcast_in_dim3A_223 = vector.shape_cast %select_n3A_222 : vector<16xi32> to vector<16x1xi32>
        %gather3A_224 = vector.shape_cast %broadcast_in_dim3A_223 : vector<16x1xi32> to vector<16xi32>
        %gather3A_225 = tpu.dynamic_gather %max3A_212[%gather3A_224] in [0] : vector<16xf32>, vector<16xi32> -> vector<16xf32>
        %max3A_226 = arith.maximumf %max3A_212, %gather3A_225 : vector<16xf32>
        %xor3A_227 = arith.constant 4 : i32
        %xor3A_228 = vector.broadcast %xor3A_227 : i32 to vector<16xi32>
        %xor3A_229 = arith.xori %iota3A, %xor3A_228 : vector<16xi32>
        %lt3A_230 = arith.constant 0 : i32
        %lt3A_231 = vector.broadcast %lt3A_230 : i32 to vector<16xi32>
        %lt3A_232 = arith.cmpi slt, %xor3A_229, %lt3A_231 : vector<16xi32>
        %add3A_233 = arith.constant 16 : i32
        %add3A_234 = vector.broadcast %add3A_233 : i32 to vector<16xi32>
        %add3A_235 = arith.addi %xor3A_229, %add3A_234 : vector<16xi32>
        %select_n3A_236 = arith.select %lt3A_232, %add3A_235, %xor3A_229 : vector<16xi1>, vector<16xi32>
        %broadcast_in_dim3A_237 = vector.shape_cast %select_n3A_236 : vector<16xi32> to vector<16x1xi32>
        %gather3A_238 = vector.shape_cast %broadcast_in_dim3A_237 : vector<16x1xi32> to vector<16xi32>
        %gather3A_239 = tpu.dynamic_gather %max3A_226[%gather3A_238] in [0] : vector<16xf32>, vector<16xi32> -> vector<16xf32>
        %max3A_240 = arith.maximumf %max3A_226, %gather3A_239 : vector<16xf32>
        %xor3A_241 = arith.constant 8 : i32
        %xor3A_242 = vector.broadcast %xor3A_241 : i32 to vector<16xi32>
        %xor3A_243 = arith.xori %iota3A, %xor3A_242 : vector<16xi32>
        %lt3A_244 = arith.constant 0 : i32
        %lt3A_245 = vector.broadcast %lt3A_244 : i32 to vector<16xi32>
        %lt3A_246 = arith.cmpi slt, %xor3A_243, %lt3A_245 : vector<16xi32>
        %add3A_247 = arith.constant 16 : i32
        %add3A_248 = vector.broadcast %add3A_247 : i32 to vector<16xi32>
        %add3A_249 = arith.addi %xor3A_243, %add3A_248 : vector<16xi32>
        %select_n3A_250 = arith.select %lt3A_246, %add3A_249, %xor3A_243 : vector<16xi1>, vector<16xi32>
        %broadcast_in_dim3A_251 = vector.shape_cast %select_n3A_250 : vector<16xi32> to vector<16x1xi32>
        %gather3A_252 = vector.shape_cast %broadcast_in_dim3A_251 : vector<16x1xi32> to vector<16xi32>
        %gather3A_253 = tpu.dynamic_gather %max3A_240[%gather3A_252] in [0] : vector<16xf32>, vector<16xi32> -> vector<16xf32>
        %max3A_254 = arith.maximumf %max3A_240, %gather3A_253 : vector<16xf32>
        %eq3A_255 = arith.cmpf oeq, %div3A_198, %max3A_254 : vector<16xf32>
        %jit3A = arith.constant 16 : i32
        %broadcast_in_dim3A_256 = vector.broadcast %jit3A : i32 to vector<16xi32>
        %select_n3A_257 = arith.select %eq3A_255, %iota3A, %broadcast_in_dim3A_256 : vector<16xi1>, vector<16xi32>
        %xor3A_258 = arith.constant 1 : i32
        %xor3A_259 = vector.broadcast %xor3A_258 : i32 to vector<16xi32>
        %xor3A_260 = arith.xori %iota3A, %xor3A_259 : vector<16xi32>
        %lt3A_261 = arith.constant 0 : i32
        %lt3A_262 = vector.broadcast %lt3A_261 : i32 to vector<16xi32>
        %lt3A_263 = arith.cmpi slt, %xor3A_260, %lt3A_262 : vector<16xi32>
        %add3A_264 = arith.constant 16 : i32
        %add3A_265 = vector.broadcast %add3A_264 : i32 to vector<16xi32>
        %add3A_266 = arith.addi %xor3A_260, %add3A_265 : vector<16xi32>
        %select_n3A_267 = arith.select %lt3A_263, %add3A_266, %xor3A_260 : vector<16xi1>, vector<16xi32>
        %broadcast_in_dim3A_268 = vector.shape_cast %select_n3A_267 : vector<16xi32> to vector<16x1xi32>
        %gather3A_269 = vector.shape_cast %broadcast_in_dim3A_268 : vector<16x1xi32> to vector<16xi32>
        %gather3A_270 = tpu.dynamic_gather %select_n3A_257[%gather3A_269] in [0] : vector<16xi32>, vector<16xi32> -> vector<16xi32>
        %min3A = arith.minsi %select_n3A_257, %gather3A_270 : vector<16xi32>
        %xor3A_271 = arith.constant 2 : i32
        %xor3A_272 = vector.broadcast %xor3A_271 : i32 to vector<16xi32>
        %xor3A_273 = arith.xori %iota3A, %xor3A_272 : vector<16xi32>
        %lt3A_274 = arith.constant 0 : i32
        %lt3A_275 = vector.broadcast %lt3A_274 : i32 to vector<16xi32>
        %lt3A_276 = arith.cmpi slt, %xor3A_273, %lt3A_275 : vector<16xi32>
        %add3A_277 = arith.constant 16 : i32
        %add3A_278 = vector.broadcast %add3A_277 : i32 to vector<16xi32>
        %add3A_279 = arith.addi %xor3A_273, %add3A_278 : vector<16xi32>
        %select_n3A_280 = arith.select %lt3A_276, %add3A_279, %xor3A_273 : vector<16xi1>, vector<16xi32>
        %broadcast_in_dim3A_281 = vector.shape_cast %select_n3A_280 : vector<16xi32> to vector<16x1xi32>
        %gather3A_282 = vector.shape_cast %broadcast_in_dim3A_281 : vector<16x1xi32> to vector<16xi32>
        %gather3A_283 = tpu.dynamic_gather %min3A[%gather3A_282] in [0] : vector<16xi32>, vector<16xi32> -> vector<16xi32>
        %min3A_284 = arith.minsi %min3A, %gather3A_283 : vector<16xi32>
        %xor3A_285 = arith.constant 4 : i32
        %xor3A_286 = vector.broadcast %xor3A_285 : i32 to vector<16xi32>
        %xor3A_287 = arith.xori %iota3A, %xor3A_286 : vector<16xi32>
        %lt3A_288 = arith.constant 0 : i32
        %lt3A_289 = vector.broadcast %lt3A_288 : i32 to vector<16xi32>
        %lt3A_290 = arith.cmpi slt, %xor3A_287, %lt3A_289 : vector<16xi32>
        %add3A_291 = arith.constant 16 : i32
        %add3A_292 = vector.broadcast %add3A_291 : i32 to vector<16xi32>
        %add3A_293 = arith.addi %xor3A_287, %add3A_292 : vector<16xi32>
        %select_n3A_294 = arith.select %lt3A_290, %add3A_293, %xor3A_287 : vector<16xi1>, vector<16xi32>
        %broadcast_in_dim3A_295 = vector.shape_cast %select_n3A_294 : vector<16xi32> to vector<16x1xi32>
        %gather3A_296 = vector.shape_cast %broadcast_in_dim3A_295 : vector<16x1xi32> to vector<16xi32>
        %gather3A_297 = tpu.dynamic_gather %min3A_284[%gather3A_296] in [0] : vector<16xi32>, vector<16xi32> -> vector<16xi32>
        %min3A_298 = arith.minsi %min3A_284, %gather3A_297 : vector<16xi32>
        %xor3A_299 = arith.constant 8 : i32
        %xor3A_300 = vector.broadcast %xor3A_299 : i32 to vector<16xi32>
        %xor3A_301 = arith.xori %iota3A, %xor3A_300 : vector<16xi32>
        %lt3A_302 = arith.constant 0 : i32
        %lt3A_303 = vector.broadcast %lt3A_302 : i32 to vector<16xi32>
        %lt3A_304 = arith.cmpi slt, %xor3A_301, %lt3A_303 : vector<16xi32>
        %add3A_305 = arith.constant 16 : i32
        %add3A_306 = vector.broadcast %add3A_305 : i32 to vector<16xi32>
        %add3A_307 = arith.addi %xor3A_301, %add3A_306 : vector<16xi32>
        %select_n3A_308 = arith.select %lt3A_304, %add3A_307, %xor3A_301 : vector<16xi1>, vector<16xi32>
        %broadcast_in_dim3A_309 = vector.shape_cast %select_n3A_308 : vector<16xi32> to vector<16x1xi32>
        %gather3A_310 = vector.shape_cast %broadcast_in_dim3A_309 : vector<16x1xi32> to vector<16xi32>
        %gather3A_311 = tpu.dynamic_gather %min3A_298[%gather3A_310] in [0] : vector<16xi32>, vector<16xi32> -> vector<16xi32>
        %min3A_312 = arith.minsi %min3A_298, %gather3A_311 : vector<16xi32>
        %eq3A_313 = arith.cmpi eq, %iota3A, %min3A_312 : vector<16xi32>
        %jit3A_314 = arith.constant -1.000000e+00 : f32
        %broadcast_in_dim3A_315 = vector.broadcast %jit3A_314 : f32 to vector<16xf32>
        %select_n3A_316 = arith.select %eq3A_313, %broadcast_in_dim3A_315, %div3A_198 : vector<16xi1>, vector<16xf32>
        %xor3A_317 = arith.constant 1 : i32
        %xor3A_318 = vector.broadcast %xor3A_317 : i32 to vector<16xi32>
        %xor3A_319 = arith.xori %iota3A, %xor3A_318 : vector<16xi32>
        %lt3A_320 = arith.constant 0 : i32
        %lt3A_321 = vector.broadcast %lt3A_320 : i32 to vector<16xi32>
        %lt3A_322 = arith.cmpi slt, %xor3A_319, %lt3A_321 : vector<16xi32>
        %add3A_323 = arith.constant 16 : i32
        %add3A_324 = vector.broadcast %add3A_323 : i32 to vector<16xi32>
        %add3A_325 = arith.addi %xor3A_319, %add3A_324 : vector<16xi32>
        %select_n3A_326 = arith.select %lt3A_322, %add3A_325, %xor3A_319 : vector<16xi1>, vector<16xi32>
        %broadcast_in_dim3A_327 = vector.shape_cast %select_n3A_326 : vector<16xi32> to vector<16x1xi32>
        %gather3A_328 = vector.shape_cast %broadcast_in_dim3A_327 : vector<16x1xi32> to vector<16xi32>
        %gather3A_329 = tpu.dynamic_gather %select_n3A_316[%gather3A_328] in [0] : vector<16xf32>, vector<16xi32> -> vector<16xf32>
        %max3A_330 = arith.maximumf %select_n3A_316, %gather3A_329 : vector<16xf32>
        %xor3A_331 = arith.constant 2 : i32
        %xor3A_332 = vector.broadcast %xor3A_331 : i32 to vector<16xi32>
        %xor3A_333 = arith.xori %iota3A, %xor3A_332 : vector<16xi32>
        %lt3A_334 = arith.constant 0 : i32
        %lt3A_335 = vector.broadcast %lt3A_334 : i32 to vector<16xi32>
        %lt3A_336 = arith.cmpi slt, %xor3A_333, %lt3A_335 : vector<16xi32>
        %add3A_337 = arith.constant 16 : i32
        %add3A_338 = vector.broadcast %add3A_337 : i32 to vector<16xi32>
        %add3A_339 = arith.addi %xor3A_333, %add3A_338 : vector<16xi32>
        %select_n3A_340 = arith.select %lt3A_336, %add3A_339, %xor3A_333 : vector<16xi1>, vector<16xi32>
        %broadcast_in_dim3A_341 = vector.shape_cast %select_n3A_340 : vector<16xi32> to vector<16x1xi32>
        %gather3A_342 = vector.shape_cast %broadcast_in_dim3A_341 : vector<16x1xi32> to vector<16xi32>
        %gather3A_343 = tpu.dynamic_gather %max3A_330[%gather3A_342] in [0] : vector<16xf32>, vector<16xi32> -> vector<16xf32>
        %max3A_344 = arith.maximumf %max3A_330, %gather3A_343 : vector<16xf32>
        %xor3A_345 = arith.constant 4 : i32
        %xor3A_346 = vector.broadcast %xor3A_345 : i32 to vector<16xi32>
        %xor3A_347 = arith.xori %iota3A, %xor3A_346 : vector<16xi32>
        %lt3A_348 = arith.constant 0 : i32
        %lt3A_349 = vector.broadcast %lt3A_348 : i32 to vector<16xi32>
        %lt3A_350 = arith.cmpi slt, %xor3A_347, %lt3A_349 : vector<16xi32>
        %add3A_351 = arith.constant 16 : i32
        %add3A_352 = vector.broadcast %add3A_351 : i32 to vector<16xi32>
        %add3A_353 = arith.addi %xor3A_347, %add3A_352 : vector<16xi32>
        %select_n3A_354 = arith.select %lt3A_350, %add3A_353, %xor3A_347 : vector<16xi1>, vector<16xi32>
        %broadcast_in_dim3A_355 = vector.shape_cast %select_n3A_354 : vector<16xi32> to vector<16x1xi32>
        %gather3A_356 = vector.shape_cast %broadcast_in_dim3A_355 : vector<16x1xi32> to vector<16xi32>
        %gather3A_357 = tpu.dynamic_gather %max3A_344[%gather3A_356] in [0] : vector<16xf32>, vector<16xi32> -> vector<16xf32>
        %max3A_358 = arith.maximumf %max3A_344, %gather3A_357 : vector<16xf32>
        %xor3A_359 = arith.constant 8 : i32
        %xor3A_360 = vector.broadcast %xor3A_359 : i32 to vector<16xi32>
        %xor3A_361 = arith.xori %iota3A, %xor3A_360 : vector<16xi32>
        %lt3A_362 = arith.constant 0 : i32
        %lt3A_363 = vector.broadcast %lt3A_362 : i32 to vector<16xi32>
        %lt3A_364 = arith.cmpi slt, %xor3A_361, %lt3A_363 : vector<16xi32>
        %add3A_365 = arith.constant 16 : i32
        %add3A_366 = vector.broadcast %add3A_365 : i32 to vector<16xi32>
        %add3A_367 = arith.addi %xor3A_361, %add3A_366 : vector<16xi32>
        %select_n3A_368 = arith.select %lt3A_364, %add3A_367, %xor3A_361 : vector<16xi1>, vector<16xi32>
        %broadcast_in_dim3A_369 = vector.shape_cast %select_n3A_368 : vector<16xi32> to vector<16x1xi32>
        %gather3A_370 = vector.shape_cast %broadcast_in_dim3A_369 : vector<16x1xi32> to vector<16xi32>
        %gather3A_371 = tpu.dynamic_gather %max3A_358[%gather3A_370] in [0] : vector<16xf32>, vector<16xi32> -> vector<16xf32>
        %max3A_372 = arith.maximumf %max3A_358, %gather3A_371 : vector<16xf32>
        %eq3A_373 = arith.cmpf oeq, %select_n3A_316, %max3A_372 : vector<16xf32>
        %jit3A_374 = arith.constant 16 : i32
        %broadcast_in_dim3A_375 = vector.broadcast %jit3A_374 : i32 to vector<16xi32>
        %select_n3A_376 = arith.select %eq3A_373, %iota3A, %broadcast_in_dim3A_375 : vector<16xi1>, vector<16xi32>
        %xor3A_377 = arith.constant 1 : i32
        %xor3A_378 = vector.broadcast %xor3A_377 : i32 to vector<16xi32>
        %xor3A_379 = arith.xori %iota3A, %xor3A_378 : vector<16xi32>
        %lt3A_380 = arith.constant 0 : i32
        %lt3A_381 = vector.broadcast %lt3A_380 : i32 to vector<16xi32>
        %lt3A_382 = arith.cmpi slt, %xor3A_379, %lt3A_381 : vector<16xi32>
        %add3A_383 = arith.constant 16 : i32
        %add3A_384 = vector.broadcast %add3A_383 : i32 to vector<16xi32>
        %add3A_385 = arith.addi %xor3A_379, %add3A_384 : vector<16xi32>
        %select_n3A_386 = arith.select %lt3A_382, %add3A_385, %xor3A_379 : vector<16xi1>, vector<16xi32>
        %broadcast_in_dim3A_387 = vector.shape_cast %select_n3A_386 : vector<16xi32> to vector<16x1xi32>
        %gather3A_388 = vector.shape_cast %broadcast_in_dim3A_387 : vector<16x1xi32> to vector<16xi32>
        %gather3A_389 = tpu.dynamic_gather %select_n3A_376[%gather3A_388] in [0] : vector<16xi32>, vector<16xi32> -> vector<16xi32>
        %min3A_390 = arith.minsi %select_n3A_376, %gather3A_389 : vector<16xi32>
        %xor3A_391 = arith.constant 2 : i32
        %xor3A_392 = vector.broadcast %xor3A_391 : i32 to vector<16xi32>
        %xor3A_393 = arith.xori %iota3A, %xor3A_392 : vector<16xi32>
        %lt3A_394 = arith.constant 0 : i32
        %lt3A_395 = vector.broadcast %lt3A_394 : i32 to vector<16xi32>
        %lt3A_396 = arith.cmpi slt, %xor3A_393, %lt3A_395 : vector<16xi32>
        %add3A_397 = arith.constant 16 : i32
        %add3A_398 = vector.broadcast %add3A_397 : i32 to vector<16xi32>
        %add3A_399 = arith.addi %xor3A_393, %add3A_398 : vector<16xi32>
        %select_n3A_400 = arith.select %lt3A_396, %add3A_399, %xor3A_393 : vector<16xi1>, vector<16xi32>
        %broadcast_in_dim3A_401 = vector.shape_cast %select_n3A_400 : vector<16xi32> to vector<16x1xi32>
        %gather3A_402 = vector.shape_cast %broadcast_in_dim3A_401 : vector<16x1xi32> to vector<16xi32>
        %gather3A_403 = tpu.dynamic_gather %min3A_390[%gather3A_402] in [0] : vector<16xi32>, vector<16xi32> -> vector<16xi32>
        %min3A_404 = arith.minsi %min3A_390, %gather3A_403 : vector<16xi32>
        %xor3A_405 = arith.constant 4 : i32
        %xor3A_406 = vector.broadcast %xor3A_405 : i32 to vector<16xi32>
        %xor3A_407 = arith.xori %iota3A, %xor3A_406 : vector<16xi32>
        %lt3A_408 = arith.constant 0 : i32
        %lt3A_409 = vector.broadcast %lt3A_408 : i32 to vector<16xi32>
        %lt3A_410 = arith.cmpi slt, %xor3A_407, %lt3A_409 : vector<16xi32>
        %add3A_411 = arith.constant 16 : i32
        %add3A_412 = vector.broadcast %add3A_411 : i32 to vector<16xi32>
        %add3A_413 = arith.addi %xor3A_407, %add3A_412 : vector<16xi32>
        %select_n3A_414 = arith.select %lt3A_410, %add3A_413, %xor3A_407 : vector<16xi1>, vector<16xi32>
        %broadcast_in_dim3A_415 = vector.shape_cast %select_n3A_414 : vector<16xi32> to vector<16x1xi32>
        %gather3A_416 = vector.shape_cast %broadcast_in_dim3A_415 : vector<16x1xi32> to vector<16xi32>
        %gather3A_417 = tpu.dynamic_gather %min3A_404[%gather3A_416] in [0] : vector<16xi32>, vector<16xi32> -> vector<16xi32>
        %min3A_418 = arith.minsi %min3A_404, %gather3A_417 : vector<16xi32>
        %xor3A_419 = arith.constant 8 : i32
        %xor3A_420 = vector.broadcast %xor3A_419 : i32 to vector<16xi32>
        %xor3A_421 = arith.xori %iota3A, %xor3A_420 : vector<16xi32>
        %lt3A_422 = arith.constant 0 : i32
        %lt3A_423 = vector.broadcast %lt3A_422 : i32 to vector<16xi32>
        %lt3A_424 = arith.cmpi slt, %xor3A_421, %lt3A_423 : vector<16xi32>
        %add3A_425 = arith.constant 16 : i32
        %add3A_426 = vector.broadcast %add3A_425 : i32 to vector<16xi32>
        %add3A_427 = arith.addi %xor3A_421, %add3A_426 : vector<16xi32>
        %select_n3A_428 = arith.select %lt3A_424, %add3A_427, %xor3A_421 : vector<16xi1>, vector<16xi32>
        %broadcast_in_dim3A_429 = vector.shape_cast %select_n3A_428 : vector<16xi32> to vector<16x1xi32>
        %gather3A_430 = vector.shape_cast %broadcast_in_dim3A_429 : vector<16x1xi32> to vector<16xi32>
        %gather3A_431 = tpu.dynamic_gather %min3A_418[%gather3A_430] in [0] : vector<16xi32>, vector<16xi32> -> vector<16xi32>
        %min3A_432 = arith.minsi %min3A_418, %gather3A_431 : vector<16xi32>
        %eq3A_433 = arith.cmpi eq, %iota3A, %min3A_432 : vector<16xi32>
        %or3A = arith.ori %eq3A_313, %eq3A_433 : vector<16xi1>
        %jit3A_434 = arith.constant 1.000000e+00 : f32
        %jit3A_435 = arith.constant 0.000000e+00 : f32
        %broadcast_in_dim3A_436 = vector.broadcast %jit3A_434 : f32 to vector<16xf32>
        %broadcast_in_dim3A_437 = vector.broadcast %jit3A_435 : f32 to vector<16xf32>
        %select_n3A_438 = arith.select %or3A, %broadcast_in_dim3A_436, %broadcast_in_dim3A_437 : vector<16xi1>, vector<16xf32>
        %add3A_439 = arith.addf %scan3A_82, %select_n3A_438 : vector<16xf32>
        %add3A_440 = arith.addf %scan3A_83, %div3A_198 : vector<16xf32>
        scf.yield %add3A_439, %add3A_440 : vector<16xf32>, vector<16xf32>
      }
      %scan3A_9 = arith.constant 64 : i32
      %swap3A = arith.constant 0 : i32
      %swap3A_10 = arith.index_cast %swap3A : i32 to index
      %swap3A_11 = arith.constant 0 : index
      %swap3A_12 = tpu.vector_load %arg6[%swap3A_10, %swap3A_11] {strides = array<i32>} : memref<2x16xf32, #tpu.memory_space<vmem>>, vector<1x16xf32>,
      %swap3A_13 = vector.shape_cast %swap3A_12 : vector<1x16xf32> to vector<16xf32>
      %swap3A_14 = vector.shape_cast %scan3A_8#0 : vector<16xf32> to vector<1x16xf32>
      tpu.vector_store %arg6[%swap3A_10, %swap3A_11], %swap3A_14 {strides = array<i32>} : memref<2x16xf32, #tpu.memory_space<vmem>>, vector<1x16xf32>,
      %div3A = arith.constant 6.400000e+01 : f32
      %div3A_15 = vector.broadcast %div3A : f32 to vector<16xf32>
      %div3A_16 = arith.divf %scan3A_8#0, %div3A_15 : vector<16xf32>
      %div3A_17 = arith.constant 6.400000e+01 : f32
      %div3A_18 = vector.broadcast %div3A_17 : f32 to vector<16xf32>
      %div3A_19 = arith.divf %scan3A_8#1, %div3A_18 : vector<16xf32>
      %mul3A = arith.mulf %div3A_16, %div3A_19 : vector<16xf32>
      %xor3A = arith.constant 1 : i32
      %xor3A_20 = vector.broadcast %xor3A : i32 to vector<16xi32>
      %xor3A_21 = arith.xori %iota3A, %xor3A_20 : vector<16xi32>
      %lt3A = arith.constant 0 : i32
      %lt3A_22 = vector.broadcast %lt3A : i32 to vector<16xi32>
      %lt3A_23 = arith.cmpi slt, %xor3A_21, %lt3A_22 : vector<16xi32>
      %add3A = arith.constant 16 : i32
      %add3A_24 = vector.broadcast %add3A : i32 to vector<16xi32>
      %add3A_25 = arith.addi %xor3A_21, %add3A_24 : vector<16xi32>
      %select_n3A = arith.select %lt3A_23, %add3A_25, %xor3A_21 : vector<16xi1>, vector<16xi32>
      %broadcast_in_dim3A_26 = vector.shape_cast %select_n3A : vector<16xi32> to vector<16x1xi32>
      %gather3A = vector.shape_cast %broadcast_in_dim3A_26 : vector<16x1xi32> to vector<16xi32>
      %gather3A_27 = tpu.dynamic_gather %mul3A[%gather3A] in [0] : vector<16xf32>, vector<16xi32> -> vector<16xf32>
      %add3A_28 = arith.addf %mul3A, %gather3A_27 : vector<16xf32>
      %xor3A_29 = arith.constant 2 : i32
      %xor3A_30 = vector.broadcast %xor3A_29 : i32 to vector<16xi32>
      %xor3A_31 = arith.xori %iota3A, %xor3A_30 : vector<16xi32>
      %lt3A_32 = arith.constant 0 : i32
      %lt3A_33 = vector.broadcast %lt3A_32 : i32 to vector<16xi32>
      %lt3A_34 = arith.cmpi slt, %xor3A_31, %lt3A_33 : vector<16xi32>
      %add3A_35 = arith.constant 16 : i32
      %add3A_36 = vector.broadcast %add3A_35 : i32 to vector<16xi32>
      %add3A_37 = arith.addi %xor3A_31, %add3A_36 : vector<16xi32>
      %select_n3A_38 = arith.select %lt3A_34, %add3A_37, %xor3A_31 : vector<16xi1>, vector<16xi32>
      %broadcast_in_dim3A_39 = vector.shape_cast %select_n3A_38 : vector<16xi32> to vector<16x1xi32>
      %gather3A_40 = vector.shape_cast %broadcast_in_dim3A_39 : vector<16x1xi32> to vector<16xi32>
      %gather3A_41 = tpu.dynamic_gather %add3A_28[%gather3A_40] in [0] : vector<16xf32>, vector<16xi32> -> vector<16xf32>
      %add3A_42 = arith.addf %add3A_28, %gather3A_41 : vector<16xf32>
      %xor3A_43 = arith.constant 4 : i32
      %xor3A_44 = vector.broadcast %xor3A_43 : i32 to vector<16xi32>
      %xor3A_45 = arith.xori %iota3A, %xor3A_44 : vector<16xi32>
      %lt3A_46 = arith.constant 0 : i32
      %lt3A_47 = vector.broadcast %lt3A_46 : i32 to vector<16xi32>
      %lt3A_48 = arith.cmpi slt, %xor3A_45, %lt3A_47 : vector<16xi32>
      %add3A_49 = arith.constant 16 : i32
      %add3A_50 = vector.broadcast %add3A_49 : i32 to vector<16xi32>
      %add3A_51 = arith.addi %xor3A_45, %add3A_50 : vector<16xi32>
      %select_n3A_52 = arith.select %lt3A_48, %add3A_51, %xor3A_45 : vector<16xi1>, vector<16xi32>
      %broadcast_in_dim3A_53 = vector.shape_cast %select_n3A_52 : vector<16xi32> to vector<16x1xi32>
      %gather3A_54 = vector.shape_cast %broadcast_in_dim3A_53 : vector<16x1xi32> to vector<16xi32>
      %gather3A_55 = tpu.dynamic_gather %add3A_42[%gather3A_54] in [0] : vector<16xf32>, vector<16xi32> -> vector<16xf32>
      %add3A_56 = arith.addf %add3A_42, %gather3A_55 : vector<16xf32>
      %xor3A_57 = arith.constant 8 : i32
      %xor3A_58 = vector.broadcast %xor3A_57 : i32 to vector<16xi32>
      %xor3A_59 = arith.xori %iota3A, %xor3A_58 : vector<16xi32>
      %lt3A_60 = arith.constant 0 : i32
      %lt3A_61 = vector.broadcast %lt3A_60 : i32 to vector<16xi32>
      %lt3A_62 = arith.cmpi slt, %xor3A_59, %lt3A_61 : vector<16xi32>
      %add3A_63 = arith.constant 16 : i32
      %add3A_64 = vector.broadcast %add3A_63 : i32 to vector<16xi32>
      %add3A_65 = arith.addi %xor3A_59, %add3A_64 : vector<16xi32>
      %select_n3A_66 = arith.select %lt3A_62, %add3A_65, %xor3A_59 : vector<16xi1>, vector<16xi32>
      %broadcast_in_dim3A_67 = vector.shape_cast %select_n3A_66 : vector<16xi32> to vector<16x1xi32>
      %gather3A_68 = vector.shape_cast %broadcast_in_dim3A_67 : vector<16x1xi32> to vector<16xi32>
      %gather3A_69 = tpu.dynamic_gather %add3A_56[%gather3A_68] in [0] : vector<16xf32>, vector<16xi32> -> vector<16xf32>
      %add3A_70 = arith.addf %add3A_56, %gather3A_69 : vector<16xf32>
      %mul3A_71 = arith.constant 1.600000e+01 : f32
      %mul3A_72 = vector.broadcast %mul3A_71 : f32 to vector<16xf32>
      %mul3A_73 = arith.mulf %add3A_70, %mul3A_72 : vector<16xf32>
      %swap3A_74 = arith.constant 1 : i32
      %swap3A_75 = arith.index_cast %swap3A_74 : i32 to index
      %swap3A_76 = arith.constant 0 : index
      %swap3A_77 = tpu.vector_load %arg6[%swap3A_75, %swap3A_76] {strides = array<i32>} : memref<2x16xf32, #tpu.memory_space<vmem>>, vector<1x16xf32>,
      %swap3A_78 = vector.shape_cast %swap3A_77 : vector<1x16xf32> to vector<16xf32>
      %swap3A_79 = vector.shape_cast %mul3A_73 : vector<16xf32> to vector<1x16xf32>
      tpu.vector_store %arg6[%swap3A_75, %swap3A_76], %swap3A_79 {strides = array<i32>} : memref<2x16xf32, #tpu.memory_space<vmem>>, vector<1x16xf32>,
      %run_scoped3A = arith.constant 0 : i32
      "tpu.region"() ({
        %run_scoped3A_81 = tpu.sem_alloc : memref<!tpu.dma_semaphore, #tpu.memory_space<semaphore_mem>>
        %dma_start3A = arith.constant 0 : i32
        %dma_start3A_82 = tpu.memref_slice %arg6[%run_scoped3A, %dma_start3A] : memref<2x16xf32, #tpu.memory_space<vmem>> -> memref<1x16xf32, #tpu.memory_space<vmem>>
        %dma_start3A_83 = tpu.memref_squeeze %dma_start3A_82 : memref<1x16xf32, #tpu.memory_space<vmem>> -> memref<16xf32, #tpu.memory_space<vmem>>
        %dma_start3A_84 = arith.constant 0 : i32
        %dma_start3A_85 = tpu.memref_slice %arg6[%run_scoped3A, %dma_start3A_84] : memref<2x16xf32, #tpu.memory_space<vmem>> -> memref<1x16xf32, #tpu.memory_space<vmem>>
        %dma_start3A_86 = tpu.memref_squeeze %dma_start3A_85 : memref<1x16xf32, #tpu.memory_space<vmem>> -> memref<16xf32, #tpu.memory_space<vmem>>
        tpu.enqueue_dma source(%dma_start3A_86 : memref<16xf32, #tpu.memory_space<vmem>>) target(%arg3 : memref<16xf32, #tpu.memory_space<hbm>>) target_semaphore(%run_scoped3A_81 : memref<!tpu.dma_semaphore, #tpu.memory_space<semaphore_mem>>)
        %dma_wait3A = arith.constant 0 : i32
        %dma_wait3A_87 = tpu.memref_slice %arg6[%run_scoped3A, %dma_wait3A] : memref<2x16xf32, #tpu.memory_space<vmem>> -> memref<1x16xf32, #tpu.memory_space<vmem>>
        %dma_wait3A_88 = tpu.memref_squeeze %dma_wait3A_87 : memref<1x16xf32, #tpu.memory_space<vmem>> -> memref<16xf32, #tpu.memory_space<vmem>>
        %dma_wait3A_89 = arith.constant 0 : i32
        %dma_wait3A_90 = tpu.memref_slice %arg6[%run_scoped3A, %dma_wait3A_89] : memref<2x16xf32, #tpu.memory_space<vmem>> -> memref<1x16xf32, #tpu.memory_space<vmem>>
        %dma_wait3A_91 = tpu.memref_squeeze %dma_wait3A_90 : memref<1x16xf32, #tpu.memory_space<vmem>> -> memref<16xf32, #tpu.memory_space<vmem>>
        tpu.wait_dma2 semaphore(%run_scoped3A_81 : memref<!tpu.dma_semaphore, #tpu.memory_space<semaphore_mem>>) src(%dma_wait3A_91 : memref<16xf32, #tpu.memory_space<vmem>>) dst(%arg3 : memref<16xf32, #tpu.memory_space<hbm>>)
        tpu.yield
      }) : () -> ()
      %run_scoped3A_80 = arith.constant 1 : i32
      "tpu.region"() ({
        %run_scoped3A_81 = tpu.sem_alloc : memref<!tpu.dma_semaphore, #tpu.memory_space<semaphore_mem>>
        %dma_start3A = arith.constant 0 : i32
        %dma_start3A_82 = tpu.memref_slice %arg6[%run_scoped3A_80, %dma_start3A] : memref<2x16xf32, #tpu.memory_space<vmem>> -> memref<1x16xf32, #tpu.memory_space<vmem>>
        %dma_start3A_83 = tpu.memref_squeeze %dma_start3A_82 : memref<1x16xf32, #tpu.memory_space<vmem>> -> memref<16xf32, #tpu.memory_space<vmem>>
        %dma_start3A_84 = arith.constant 0 : i32
        %dma_start3A_85 = tpu.memref_slice %arg6[%run_scoped3A_80, %dma_start3A_84] : memref<2x16xf32, #tpu.memory_space<vmem>> -> memref<1x16xf32, #tpu.memory_space<vmem>>
        %dma_start3A_86 = tpu.memref_squeeze %dma_start3A_85 : memref<1x16xf32, #tpu.memory_space<vmem>> -> memref<16xf32, #tpu.memory_space<vmem>>
        tpu.enqueue_dma source(%dma_start3A_86 : memref<16xf32, #tpu.memory_space<vmem>>) target(%arg4 : memref<16xf32, #tpu.memory_space<hbm>>) target_semaphore(%run_scoped3A_81 : memref<!tpu.dma_semaphore, #tpu.memory_space<semaphore_mem>>)
        %dma_wait3A = arith.constant 0 : i32
        %dma_wait3A_87 = tpu.memref_slice %arg6[%run_scoped3A_80, %dma_wait3A] : memref<2x16xf32, #tpu.memory_space<vmem>> -> memref<1x16xf32, #tpu.memory_space<vmem>>
        %dma_wait3A_88 = tpu.memref_squeeze %dma_wait3A_87 : memref<1x16xf32, #tpu.memory_space<vmem>> -> memref<16xf32, #tpu.memory_space<vmem>>
        %dma_wait3A_89 = arith.constant 0 : i32
        %dma_wait3A_90 = tpu.memref_slice %arg6[%run_scoped3A_80, %dma_wait3A_89] : memref<2x16xf32, #tpu.memory_space<vmem>> -> memref<1x16xf32, #tpu.memory_space<vmem>>
        %dma_wait3A_91 = tpu.memref_squeeze %dma_wait3A_90 : memref<1x16xf32, #tpu.memory_space<vmem>> -> memref<16xf32, #tpu.memory_space<vmem>>
        tpu.wait_dma2 semaphore(%run_scoped3A_81 : memref<!tpu.dma_semaphore, #tpu.memory_space<semaphore_mem>>) src(%dma_wait3A_91 : memref<16xf32, #tpu.memory_space<vmem>>) dst(%arg4 : memref<16xf32, #tpu.memory_space<hbm>>)
        tpu.yield
      }) : () -> ()
    } else {
    }
    return
  }
}

module attributes {stable_mosaic.version = 14 : i64} {
  func.func @_attn_body(%arg0: i32, %arg1: memref<4x512x768xf32, #tpu.memory_space<vmem>>, %arg2: memref<1x8x768xf32, #tpu.memory_space<vmem>>, %arg3: memref<768x768xf32, #tpu.memory_space<vmem>>, %arg4: memref<1x768xf32, #tpu.memory_space<vmem>>, %arg5: memref<768x768xf32, #tpu.memory_space<vmem>>, %arg6: memref<1x768xf32, #tpu.memory_space<vmem>>, %arg7: memref<768x768xf32, #tpu.memory_space<vmem>>, %arg8: memref<1x768xf32, #tpu.memory_space<vmem>>, %arg9: memref<768x768xf32, #tpu.memory_space<vmem>>, %arg10: memref<1x768xf32, #tpu.memory_space<vmem>>, %arg11: memref<1x768xf32, #tpu.memory_space<vmem>>, %arg12: memref<1x768xf32, #tpu.memory_space<vmem>>, %arg13: memref<768x16xf32, #tpu.memory_space<vmem>>, %arg14: memref<1x16xf32, #tpu.memory_space<vmem>>, %arg15: memref<4x8x768xf32, #tpu.memory_space<vmem>>, %arg16: memref<4x8x768xf32, #tpu.memory_space<vmem>>, %arg17: memref<4x12x8x512xf32, #tpu.memory_space<vmem>>, %arg18: memref<4x8x16xf32, #tpu.memory_space<vmem>>, %arg19: memref<64x16xf32, #tpu.memory_space<vmem>>, %arg20: memref<96x768xf32, #tpu.memory_space<vmem>>, %arg21: memref<96x128xf32, #tpu.memory_space<vmem>>, %arg22: memref<64x16xf32, #tpu.memory_space<vmem>>) attributes {dimension_semantics = [#tpu.dimension_semantics<arbitrary>], iteration_bounds = array<i64: 2>, scalar_prefetch = 0 : i64, scratch_operands = 3 : i64, tpu.core_type = #tpu.core_type<tc>, window_params = [{transform_indices = @transform_0, window_bounds = array<i64: 4, 512, 768>}, {pipeline_mode = #tpu.pipeline_mode<synchronous>, transform_indices = @transform_1, window_bounds = array<i64: 1, 8, 768>}, {pipeline_mode = #tpu.pipeline_mode<synchronous>, transform_indices = @transform_2, window_bounds = array<i64: 768, 768>}, {pipeline_mode = #tpu.pipeline_mode<synchronous>, transform_indices = @transform_3, window_bounds = array<i64: 1, 768>}, {pipeline_mode = #tpu.pipeline_mode<synchronous>, transform_indices = @transform_4, window_bounds = array<i64: 768, 768>}, {pipeline_mode = #tpu.pipeline_mode<synchronous>, transform_indices = @transform_5, window_bounds = array<i64: 1, 768>}, {pipeline_mode = #tpu.pipeline_mode<synchronous>, transform_indices = @transform_6, window_bounds = array<i64: 768, 768>}, {pipeline_mode = #tpu.pipeline_mode<synchronous>, transform_indices = @transform_7, window_bounds = array<i64: 1, 768>}, {pipeline_mode = #tpu.pipeline_mode<synchronous>, transform_indices = @transform_8, window_bounds = array<i64: 768, 768>}, {pipeline_mode = #tpu.pipeline_mode<synchronous>, transform_indices = @transform_9, window_bounds = array<i64: 1, 768>}, {pipeline_mode = #tpu.pipeline_mode<synchronous>, transform_indices = @transform_10, window_bounds = array<i64: 1, 768>}, {pipeline_mode = #tpu.pipeline_mode<synchronous>, transform_indices = @transform_11, window_bounds = array<i64: 1, 768>}, {pipeline_mode = #tpu.pipeline_mode<synchronous>, transform_indices = @transform_12, window_bounds = array<i64: 768, 16>}, {pipeline_mode = #tpu.pipeline_mode<synchronous>, transform_indices = @transform_13, window_bounds = array<i64: 1, 16>}, {transform_indices = @transform_14, window_bounds = array<i64: 4, 8, 768>}, {transform_indices = @transform_15, window_bounds = array<i64: 4, 8, 768>}, {transform_indices = @transform_16, window_bounds = array<i64: 4, 12, 8, 512>}, {transform_indices = @transform_17, window_bounds = array<i64: 4, 8, 16>}, {pipeline_mode = #tpu.pipeline_mode<synchronous>, transform_indices = @transform_18, window_bounds = array<i64: 64, 16>}]} {
    %eq3A = arith.constant 0 : i32
    %eq3A_0 = arith.cmpi eq, %arg0, %eq3A : i32
    %convert_element_type3A = arith.extui %eq3A_0 : i1 to i32
    %cond3A = arith.constant 0 : i32
    %cond3A_1 = arith.cmpi ne, %convert_element_type3A, %cond3A : i32
    scf.if %cond3A_1 {
      %get3A_244 = arith.constant 0 : index
      %get3A_245 = arith.constant 0 : index
      %get3A_246 = arith.constant 0 : index
      %get3A_247 = vector.load %arg2[%get3A_244, %get3A_245, %get3A_246] : memref<1x8x768xf32, #tpu.memory_space<vmem>>, vector<1x8x768xf32>
      %get3A_248 = vector.shape_cast %get3A_247 : vector<1x8x768xf32> to vector<8x768xf32>
      %get3A_249 = arith.constant 0 : index
      %get3A_250 = arith.constant 0 : index
      %get3A_251 = vector.load %arg3[%get3A_249, %get3A_250] : memref<768x768xf32, #tpu.memory_space<vmem>>, vector<768x768xf32>
      %dot_general3A_252 = arith.constant dense<0.000000e+00> : vector<8x768xf32>
      %dot_general3A_253 = tpu.matmul %get3A_248, %get3A_251, %dot_general3A_252 {dimension_numbers = #tpu.dot_dimension_numbers<[1], [0], [0], [1], [0, 0, 1, 1], [], []>, transpose_lhs_hint = false} : vector<8x768xf32>, vector<768x768xf32>, vector<8x768xf32> -> vector<8x768xf32>
      %get3A_254 = arith.constant 0 : index
      %get3A_255 = arith.constant 0 : index
      %get3A_256 = vector.load %arg4[%get3A_254, %get3A_255] : memref<1x768xf32, #tpu.memory_space<vmem>>, vector<1x768xf32>
      %add3A_257 = vector.broadcast %get3A_256 : vector<1x768xf32> to vector<8x768xf32>
      %add3A_258 = arith.addf %dot_general3A_253, %add3A_257 : vector<8x768xf32>
      %broadcast_in_dim3A_259 = vector.shape_cast %add3A_258 : vector<8x768xf32> to vector<1x8x768xf32>
      %broadcast_in_dim3A_260 = vector.shape_cast %broadcast_in_dim3A_259 : vector<1x8x768xf32> to vector<1x8x768xf32>
      %broadcast_in_dim3A_261 = vector.broadcast %broadcast_in_dim3A_260 : vector<1x8x768xf32> to vector<12x8x768xf32>
      %reshape3A_262 = vector.shape_cast %broadcast_in_dim3A_261 : vector<12x8x768xf32> to vector<96x768xf32>
      %iota3A_263 = tpu.iota {dimensions = array<i32: 0>} : vector<96x768xi32>
      %jit3A_264 = arith.constant 8 : i32
      %div3A_265 = vector.broadcast %jit3A_264 : i32 to vector<96x768xi32>
      %div3A_266 = arith.divsi %iota3A_263, %div3A_265 : vector<96x768xi32>
      %sign3A_267 = arith.constant 0 : i32
      %sign3A_268 = vector.broadcast %sign3A_267 : i32 to vector<96x768xi32>
      %sign3A_269 = arith.cmpi sgt, %iota3A_263, %sign3A_268 : vector<96x768xi32>
      %sign3A_270 = arith.extui %sign3A_269 : vector<96x768xi1> to vector<96x768xi32>
      %sign3A_271 = arith.constant 0 : i32
      %sign3A_272 = vector.broadcast %sign3A_271 : i32 to vector<96x768xi32>
      %sign3A_273 = arith.cmpi slt, %iota3A_263, %sign3A_272 : vector<96x768xi32>
      %sign3A_274 = arith.extui %sign3A_273 : vector<96x768xi1> to vector<96x768xi32>
      %sign3A_275 = arith.subi %sign3A_270, %sign3A_274 : vector<96x768xi32>
      %sign3A_276 = arith.constant 0 : i32
      %sign3A_277 = arith.cmpi sgt, %jit3A_264, %sign3A_276 : i32
      %sign3A_278 = arith.extui %sign3A_277 : i1 to i32
      %sign3A_279 = arith.constant 0 : i32
      %sign3A_280 = arith.cmpi slt, %jit3A_264, %sign3A_279 : i32
      %sign3A_281 = arith.extui %sign3A_280 : i1 to i32
      %sign3A_282 = arith.subi %sign3A_278, %sign3A_281 : i32
      %ne3A_283 = vector.broadcast %sign3A_282 : i32 to vector<96x768xi32>
      %ne3A_284 = arith.cmpi ne, %sign3A_275, %ne3A_283 : vector<96x768xi32>
      %rem3A_285 = vector.broadcast %jit3A_264 : i32 to vector<96x768xi32>
      %rem3A_286 = arith.remsi %iota3A_263, %rem3A_285 : vector<96x768xi32>
      %ne3A_287 = arith.constant 0 : i32
      %ne3A_288 = vector.broadcast %ne3A_287 : i32 to vector<96x768xi32>
      %ne3A_289 = arith.cmpi ne, %rem3A_286, %ne3A_288 : vector<96x768xi32>
      %and3A_290 = arith.andi %ne3A_284, %ne3A_289 : vector<96x768xi1>
      %sub3A_291 = arith.constant 1 : i32
      %sub3A_292 = vector.broadcast %sub3A_291 : i32 to vector<96x768xi32>
      %sub3A_293 = arith.subi %div3A_266, %sub3A_292 : vector<96x768xi32>
      %select_n3A_294 = arith.select %and3A_290, %sub3A_293, %div3A_266 : vector<96x768xi1>, vector<96x768xi32>
      %iota3A_295 = tpu.iota {dimensions = array<i32: 1>} : vector<96x768xi32>
      %jit3A_296 = arith.constant 64 : i32
      %div3A_297 = vector.broadcast %jit3A_296 : i32 to vector<96x768xi32>
      %div3A_298 = arith.divsi %iota3A_295, %div3A_297 : vector<96x768xi32>
      %sign3A_299 = arith.constant 0 : i32
      %sign3A_300 = vector.broadcast %sign3A_299 : i32 to vector<96x768xi32>
      %sign3A_301 = arith.cmpi sgt, %iota3A_295, %sign3A_300 : vector<96x768xi32>
      %sign3A_302 = arith.extui %sign3A_301 : vector<96x768xi1> to vector<96x768xi32>
      %sign3A_303 = arith.constant 0 : i32
      %sign3A_304 = vector.broadcast %sign3A_303 : i32 to vector<96x768xi32>
      %sign3A_305 = arith.cmpi slt, %iota3A_295, %sign3A_304 : vector<96x768xi32>
      %sign3A_306 = arith.extui %sign3A_305 : vector<96x768xi1> to vector<96x768xi32>
      %sign3A_307 = arith.subi %sign3A_302, %sign3A_306 : vector<96x768xi32>
      %sign3A_308 = arith.constant 0 : i32
      %sign3A_309 = arith.cmpi sgt, %jit3A_296, %sign3A_308 : i32
      %sign3A_310 = arith.extui %sign3A_309 : i1 to i32
      %sign3A_311 = arith.constant 0 : i32
      %sign3A_312 = arith.cmpi slt, %jit3A_296, %sign3A_311 : i32
      %sign3A_313 = arith.extui %sign3A_312 : i1 to i32
      %sign3A_314 = arith.subi %sign3A_310, %sign3A_313 : i32
      %ne3A_315 = vector.broadcast %sign3A_314 : i32 to vector<96x768xi32>
      %ne3A_316 = arith.cmpi ne, %sign3A_307, %ne3A_315 : vector<96x768xi32>
      %rem3A_317 = vector.broadcast %jit3A_296 : i32 to vector<96x768xi32>
      %rem3A_318 = arith.remsi %iota3A_295, %rem3A_317 : vector<96x768xi32>
      %ne3A_319 = arith.constant 0 : i32
      %ne3A_320 = vector.broadcast %ne3A_319 : i32 to vector<96x768xi32>
      %ne3A_321 = arith.cmpi ne, %rem3A_318, %ne3A_320 : vector<96x768xi32>
      %and3A_322 = arith.andi %ne3A_316, %ne3A_321 : vector<96x768xi1>
      %sub3A_323 = arith.constant 1 : i32
      %sub3A_324 = vector.broadcast %sub3A_323 : i32 to vector<96x768xi32>
      %sub3A_325 = arith.subi %div3A_298, %sub3A_324 : vector<96x768xi32>
      %select_n3A_326 = arith.select %and3A_322, %sub3A_325, %div3A_298 : vector<96x768xi1>, vector<96x768xi32>
      %eq3A_327 = arith.cmpi eq, %select_n3A_294, %select_n3A_326 : vector<96x768xi32>
      %jit3A_328 = arith.constant 0.000000e+00 : f32
      %broadcast_in_dim3A_329 = vector.broadcast %jit3A_328 : f32 to vector<96x768xf32>
      %select_n3A_330 = arith.select %eq3A_327, %reshape3A_262, %broadcast_in_dim3A_329 : vector<96x768xi1>, vector<96x768xf32>
      %get3A_331 = arith.constant 0 : index
      %get3A_332 = arith.constant 0 : index
      %get3A_333 = vector.load %arg5[%get3A_331, %get3A_332] : memref<768x768xf32, #tpu.memory_space<vmem>>, vector<768x768xf32>
      %dot_general3A_334 = arith.constant dense<0.000000e+00> : vector<96x768xf32>
      %dot_general3A_335 = tpu.matmul %select_n3A_330, %get3A_333, %dot_general3A_334 {dimension_numbers = #tpu.dot_dimension_numbers<[1], [1], [0], [0], [0, 0, 1, 0], [], []>, transpose_lhs_hint = false} : vector<96x768xf32>, vector<768x768xf32>, vector<96x768xf32> -> vector<96x768xf32>
      %swap3A_336 = arith.constant 0 : index
      %swap3A_337 = arith.constant 0 : index
      %swap3A_338 = vector.load %arg20[%swap3A_336, %swap3A_337] : memref<96x768xf32, #tpu.memory_space<vmem>>, vector<96x768xf32>
      tpu.vector_store %arg20[%swap3A_336, %swap3A_337], %dot_general3A_335 {strides = array<i32>} : memref<96x768xf32, #tpu.memory_space<vmem>>, vector<96x768xf32>,
      %get3A_339 = arith.constant 0 : index
      %get3A_340 = arith.constant 0 : index
      %get3A_341 = vector.load %arg6[%get3A_339, %get3A_340] : memref<1x768xf32, #tpu.memory_space<vmem>>, vector<1x768xf32>
      %mul3A_342 = vector.broadcast %get3A_341 : vector<1x768xf32> to vector<96x768xf32>
      %mul3A_343 = arith.mulf %select_n3A_330, %mul3A_342 : vector<96x768xf32>
      %reduce_sum3A_344 = arith.constant dense<0.000000e+00> : vector<96xf32>
      %reduce_sum3A_345 = vector.multi_reduction <add>, %mul3A_343, %reduce_sum3A_344 [1] : vector<96x768xf32> to vector<96xf32>
      %broadcast_in_dim3A_346 = vector.shape_cast %reduce_sum3A_345 : vector<96xf32> to vector<96x1xf32>
      %broadcast_in_dim3A_347 = vector.shape_cast %broadcast_in_dim3A_346 : vector<96x1xf32> to vector<96x1xf32>
      %broadcast_in_dim3A_348 = vector.broadcast %broadcast_in_dim3A_347 : vector<96x1xf32> to vector<96x128xf32>
      %swap3A_349 = arith.constant 0 : index
      %swap3A_350 = arith.constant 0 : index
      %swap3A_351 = vector.load %arg21[%swap3A_349, %swap3A_350] : memref<96x128xf32, #tpu.memory_space<vmem>>, vector<96x128xf32>
      tpu.vector_store %arg21[%swap3A_349, %swap3A_350], %broadcast_in_dim3A_348 {strides = array<i32>} : memref<96x128xf32, #tpu.memory_space<vmem>>, vector<96x128xf32>,
    } else {
    }
    %sqrt3A = arith.constant 6.400000e+01 : f32
    %sqrt3A_2 = math.sqrt %sqrt3A : f32
    %div3A = arith.constant 1.000000e+00 : f32
    %div3A_3 = arith.divf %div3A, %sqrt3A_2 : f32
    %get3A = arith.constant 0 : index
    %get3A_4 = arith.constant 0 : index
    %get3A_5 = arith.constant 0 : index
    %get3A_6 = vector.load %arg1[%get3A, %get3A_4, %get3A_5] : memref<4x512x768xf32, #tpu.memory_space<vmem>>, vector<1x512x768xf32>
    %get3A_7 = vector.shape_cast %get3A_6 : vector<1x512x768xf32> to vector<512x768xf32>
    %get3A_8 = arith.constant 0 : index
    %get3A_9 = arith.constant 0 : index
    %get3A_10 = vector.load %arg20[%get3A_8, %get3A_9] : memref<96x768xf32, #tpu.memory_space<vmem>>, vector<96x768xf32>
    %dot_general3A = arith.constant dense<0.000000e+00> : vector<96x512xf32>
    %dot_general3A_11 = tpu.matmul %get3A_10, %get3A_7, %dot_general3A {dimension_numbers = #tpu.dot_dimension_numbers<[1], [1], [0], [0], [0, 0, 1, 0], [], []>, transpose_lhs_hint = false} : vector<96x768xf32>, vector<512x768xf32>, vector<96x512xf32> -> vector<96x512xf32>
    %get3A_12 = arith.constant 0 : index
    %get3A_13 = arith.constant 0 : index
    %get3A_14 = vector.load %arg21[%get3A_12, %get3A_13] : memref<96x128xf32, #tpu.memory_space<vmem>>, vector<96x1xf32>
    %add3A = vector.broadcast %get3A_14 : vector<96x1xf32> to vector<96x512xf32>
    %add3A_15 = arith.addf %dot_general3A_11, %add3A : vector<96x512xf32>
    %mul3A = vector.broadcast %div3A_3 : f32 to vector<96x512xf32>
    %mul3A_16 = arith.mulf %add3A_15, %mul3A : vector<96x512xf32>
    %reduce_max3A = arith.constant dense<0xFF800000> : vector<96xf32>
    %reduce_max3A_17 = vector.multi_reduction <maximumf>, %mul3A_16, %reduce_max3A [1] : vector<96x512xf32> to vector<96xf32>
    %broadcast_in_dim3A = vector.shape_cast %reduce_max3A_17 : vector<96xf32> to vector<96x1xf32>
    %sub3A = vector.broadcast %broadcast_in_dim3A : vector<96x1xf32> to vector<96x512xf32>
    %sub3A_18 = arith.subf %mul3A_16, %sub3A : vector<96x512xf32>
    %exp3A = math.exp %sub3A_18 : vector<96x512xf32>
    %reduce_sum3A = arith.constant dense<0.000000e+00> : vector<96xf32>
    %reduce_sum3A_19 = vector.multi_reduction <add>, %exp3A, %reduce_sum3A [1] : vector<96x512xf32> to vector<96xf32>
    %broadcast_in_dim3A_20 = vector.shape_cast %reduce_sum3A_19 : vector<96xf32> to vector<96x1xf32>
    %div3A_21 = vector.broadcast %broadcast_in_dim3A_20 : vector<96x1xf32> to vector<96x512xf32>
    %div3A_22 = arith.divf %exp3A, %div3A_21 : vector<96x512xf32>
    %reshape3A = vector.shape_cast %div3A_22 : vector<96x512xf32> to vector<1x12x8x512xf32>
    %dot_general3A_23 = arith.constant dense<0.000000e+00> : vector<96x768xf32>
    %dot_general3A_24 = tpu.matmul %div3A_22, %get3A_7, %dot_general3A_23 {dimension_numbers = #tpu.dot_dimension_numbers<[1], [0], [0], [1], [0, 0, 1, 1], [], []>, transpose_lhs_hint = false} : vector<96x512xf32>, vector<512x768xf32>, vector<96x768xf32> -> vector<96x768xf32>
    %get3A_25 = arith.constant 1 : index
    %get3A_26 = arith.constant 0 : index
    %get3A_27 = arith.constant 0 : index
    %get3A_28 = vector.load %arg1[%get3A_25, %get3A_26, %get3A_27] : memref<4x512x768xf32, #tpu.memory_space<vmem>>, vector<1x512x768xf32>
    %get3A_29 = vector.shape_cast %get3A_28 : vector<1x512x768xf32> to vector<512x768xf32>
    %get3A_30 = arith.constant 0 : index
    %get3A_31 = arith.constant 0 : index
    %get3A_32 = vector.load %arg20[%get3A_30, %get3A_31] : memref<96x768xf32, #tpu.memory_space<vmem>>, vector<96x768xf32>
    %dot_general3A_33 = arith.constant dense<0.000000e+00> : vector<96x512xf32>
    %dot_general3A_34 = tpu.matmul %get3A_32, %get3A_29, %dot_general3A_33 {dimension_numbers = #tpu.dot_dimension_numbers<[1], [1], [0], [0], [0, 0, 1, 0], [], []>, transpose_lhs_hint = false} : vector<96x768xf32>, vector<512x768xf32>, vector<96x512xf32> -> vector<96x512xf32>
    %get3A_35 = arith.constant 0 : index
    %get3A_36 = arith.constant 0 : index
    %get3A_37 = vector.load %arg21[%get3A_35, %get3A_36] : memref<96x128xf32, #tpu.memory_space<vmem>>, vector<96x1xf32>
    %add3A_38 = vector.broadcast %get3A_37 : vector<96x1xf32> to vector<96x512xf32>
    %add3A_39 = arith.addf %dot_general3A_34, %add3A_38 : vector<96x512xf32>
    %mul3A_40 = vector.broadcast %div3A_3 : f32 to vector<96x512xf32>
    %mul3A_41 = arith.mulf %add3A_39, %mul3A_40 : vector<96x512xf32>
    %reduce_max3A_42 = arith.constant dense<0xFF800000> : vector<96xf32>
    %reduce_max3A_43 = vector.multi_reduction <maximumf>, %mul3A_41, %reduce_max3A_42 [1] : vector<96x512xf32> to vector<96xf32>
    %broadcast_in_dim3A_44 = vector.shape_cast %reduce_max3A_43 : vector<96xf32> to vector<96x1xf32>
    %sub3A_45 = vector.broadcast %broadcast_in_dim3A_44 : vector<96x1xf32> to vector<96x512xf32>
    %sub3A_46 = arith.subf %mul3A_41, %sub3A_45 : vector<96x512xf32>
    %exp3A_47 = math.exp %sub3A_46 : vector<96x512xf32>
    %reduce_sum3A_48 = arith.constant dense<0.000000e+00> : vector<96xf32>
    %reduce_sum3A_49 = vector.multi_reduction <add>, %exp3A_47, %reduce_sum3A_48 [1] : vector<96x512xf32> to vector<96xf32>
    %broadcast_in_dim3A_50 = vector.shape_cast %reduce_sum3A_49 : vector<96xf32> to vector<96x1xf32>
    %div3A_51 = vector.broadcast %broadcast_in_dim3A_50 : vector<96x1xf32> to vector<96x512xf32>
    %div3A_52 = arith.divf %exp3A_47, %div3A_51 : vector<96x512xf32>
    %reshape3A_53 = vector.shape_cast %div3A_52 : vector<96x512xf32> to vector<1x12x8x512xf32>
    %dot_general3A_54 = arith.constant dense<0.000000e+00> : vector<96x768xf32>
    %dot_general3A_55 = tpu.matmul %div3A_52, %get3A_29, %dot_general3A_54 {dimension_numbers = #tpu.dot_dimension_numbers<[1], [0], [0], [1], [0, 0, 1, 1], [], []>, transpose_lhs_hint = false} : vector<96x512xf32>, vector<512x768xf32>, vector<96x768xf32> -> vector<96x768xf32>
    %get3A_56 = arith.constant 2 : index
    %get3A_57 = arith.constant 0 : index
    %get3A_58 = arith.constant 0 : index
    %get3A_59 = vector.load %arg1[%get3A_56, %get3A_57, %get3A_58] : memref<4x512x768xf32, #tpu.memory_space<vmem>>, vector<1x512x768xf32>
    %get3A_60 = vector.shape_cast %get3A_59 : vector<1x512x768xf32> to vector<512x768xf32>
    %get3A_61 = arith.constant 0 : index
    %get3A_62 = arith.constant 0 : index
    %get3A_63 = vector.load %arg20[%get3A_61, %get3A_62] : memref<96x768xf32, #tpu.memory_space<vmem>>, vector<96x768xf32>
    %dot_general3A_64 = arith.constant dense<0.000000e+00> : vector<96x512xf32>
    %dot_general3A_65 = tpu.matmul %get3A_63, %get3A_60, %dot_general3A_64 {dimension_numbers = #tpu.dot_dimension_numbers<[1], [1], [0], [0], [0, 0, 1, 0], [], []>, transpose_lhs_hint = false} : vector<96x768xf32>, vector<512x768xf32>, vector<96x512xf32> -> vector<96x512xf32>
    %get3A_66 = arith.constant 0 : index
    %get3A_67 = arith.constant 0 : index
    %get3A_68 = vector.load %arg21[%get3A_66, %get3A_67] : memref<96x128xf32, #tpu.memory_space<vmem>>, vector<96x1xf32>
    %add3A_69 = vector.broadcast %get3A_68 : vector<96x1xf32> to vector<96x512xf32>
    %add3A_70 = arith.addf %dot_general3A_65, %add3A_69 : vector<96x512xf32>
    %mul3A_71 = vector.broadcast %div3A_3 : f32 to vector<96x512xf32>
    %mul3A_72 = arith.mulf %add3A_70, %mul3A_71 : vector<96x512xf32>
    %reduce_max3A_73 = arith.constant dense<0xFF800000> : vector<96xf32>
    %reduce_max3A_74 = vector.multi_reduction <maximumf>, %mul3A_72, %reduce_max3A_73 [1] : vector<96x512xf32> to vector<96xf32>
    %broadcast_in_dim3A_75 = vector.shape_cast %reduce_max3A_74 : vector<96xf32> to vector<96x1xf32>
    %sub3A_76 = vector.broadcast %broadcast_in_dim3A_75 : vector<96x1xf32> to vector<96x512xf32>
    %sub3A_77 = arith.subf %mul3A_72, %sub3A_76 : vector<96x512xf32>
    %exp3A_78 = math.exp %sub3A_77 : vector<96x512xf32>
    %reduce_sum3A_79 = arith.constant dense<0.000000e+00> : vector<96xf32>
    %reduce_sum3A_80 = vector.multi_reduction <add>, %exp3A_78, %reduce_sum3A_79 [1] : vector<96x512xf32> to vector<96xf32>
    %broadcast_in_dim3A_81 = vector.shape_cast %reduce_sum3A_80 : vector<96xf32> to vector<96x1xf32>
    %div3A_82 = vector.broadcast %broadcast_in_dim3A_81 : vector<96x1xf32> to vector<96x512xf32>
    %div3A_83 = arith.divf %exp3A_78, %div3A_82 : vector<96x512xf32>
    %reshape3A_84 = vector.shape_cast %div3A_83 : vector<96x512xf32> to vector<1x12x8x512xf32>
    %dot_general3A_85 = arith.constant dense<0.000000e+00> : vector<96x768xf32>
    %dot_general3A_86 = tpu.matmul %div3A_83, %get3A_60, %dot_general3A_85 {dimension_numbers = #tpu.dot_dimension_numbers<[1], [0], [0], [1], [0, 0, 1, 1], [], []>, transpose_lhs_hint = false} : vector<96x512xf32>, vector<512x768xf32>, vector<96x768xf32> -> vector<96x768xf32>
    %get3A_87 = arith.constant 3 : index
    %get3A_88 = arith.constant 0 : index
    %get3A_89 = arith.constant 0 : index
    %get3A_90 = vector.load %arg1[%get3A_87, %get3A_88, %get3A_89] : memref<4x512x768xf32, #tpu.memory_space<vmem>>, vector<1x512x768xf32>
    %get3A_91 = vector.shape_cast %get3A_90 : vector<1x512x768xf32> to vector<512x768xf32>
    %get3A_92 = arith.constant 0 : index
    %get3A_93 = arith.constant 0 : index
    %get3A_94 = vector.load %arg20[%get3A_92, %get3A_93] : memref<96x768xf32, #tpu.memory_space<vmem>>, vector<96x768xf32>
    %dot_general3A_95 = arith.constant dense<0.000000e+00> : vector<96x512xf32>
    %dot_general3A_96 = tpu.matmul %get3A_94, %get3A_91, %dot_general3A_95 {dimension_numbers = #tpu.dot_dimension_numbers<[1], [1], [0], [0], [0, 0, 1, 0], [], []>, transpose_lhs_hint = false} : vector<96x768xf32>, vector<512x768xf32>, vector<96x512xf32> -> vector<96x512xf32>
    %get3A_97 = arith.constant 0 : index
    %get3A_98 = arith.constant 0 : index
    %get3A_99 = vector.load %arg21[%get3A_97, %get3A_98] : memref<96x128xf32, #tpu.memory_space<vmem>>, vector<96x1xf32>
    %add3A_100 = vector.broadcast %get3A_99 : vector<96x1xf32> to vector<96x512xf32>
    %add3A_101 = arith.addf %dot_general3A_96, %add3A_100 : vector<96x512xf32>
    %mul3A_102 = vector.broadcast %div3A_3 : f32 to vector<96x512xf32>
    %mul3A_103 = arith.mulf %add3A_101, %mul3A_102 : vector<96x512xf32>
    %reduce_max3A_104 = arith.constant dense<0xFF800000> : vector<96xf32>
    %reduce_max3A_105 = vector.multi_reduction <maximumf>, %mul3A_103, %reduce_max3A_104 [1] : vector<96x512xf32> to vector<96xf32>
    %broadcast_in_dim3A_106 = vector.shape_cast %reduce_max3A_105 : vector<96xf32> to vector<96x1xf32>
    %sub3A_107 = vector.broadcast %broadcast_in_dim3A_106 : vector<96x1xf32> to vector<96x512xf32>
    %sub3A_108 = arith.subf %mul3A_103, %sub3A_107 : vector<96x512xf32>
    %exp3A_109 = math.exp %sub3A_108 : vector<96x512xf32>
    %reduce_sum3A_110 = arith.constant dense<0.000000e+00> : vector<96xf32>
    %reduce_sum3A_111 = vector.multi_reduction <add>, %exp3A_109, %reduce_sum3A_110 [1] : vector<96x512xf32> to vector<96xf32>
    %broadcast_in_dim3A_112 = vector.shape_cast %reduce_sum3A_111 : vector<96xf32> to vector<96x1xf32>
    %div3A_113 = vector.broadcast %broadcast_in_dim3A_112 : vector<96x1xf32> to vector<96x512xf32>
    %div3A_114 = arith.divf %exp3A_109, %div3A_113 : vector<96x512xf32>
    %reshape3A_115 = vector.shape_cast %div3A_114 : vector<96x512xf32> to vector<1x12x8x512xf32>
    %dot_general3A_116 = arith.constant dense<0.000000e+00> : vector<96x768xf32>
    %dot_general3A_117 = tpu.matmul %div3A_114, %get3A_91, %dot_general3A_116 {dimension_numbers = #tpu.dot_dimension_numbers<[1], [0], [0], [1], [0, 0, 1, 1], [], []>, transpose_lhs_hint = false} : vector<96x512xf32>, vector<512x768xf32>, vector<96x768xf32> -> vector<96x768xf32>
    %concatenate3A = tpu.concatenate %reshape3A, %reshape3A_53, %reshape3A_84, %reshape3A_115 in 0 : vector<1x12x8x512xf32>, vector<1x12x8x512xf32>, vector<1x12x8x512xf32>, vector<1x12x8x512xf32> -> vector<4x12x8x512xf32>
    %swap3A = arith.constant 0 : index
    %swap3A_118 = arith.constant 0 : index
    %swap3A_119 = arith.constant 0 : index
    %swap3A_120 = arith.constant 0 : index
    %swap3A_121 = vector.load %arg17[%swap3A, %swap3A_118, %swap3A_119, %swap3A_120] : memref<4x12x8x512xf32, #tpu.memory_space<vmem>>, vector<4x12x8x512xf32>
    tpu.vector_store %arg17[%swap3A, %swap3A_118, %swap3A_119, %swap3A_120], %concatenate3A {strides = array<i32>} : memref<4x12x8x512xf32, #tpu.memory_space<vmem>>, vector<4x12x8x512xf32>,
    %concatenate3A_122 = tpu.concatenate %dot_general3A_24, %dot_general3A_55, %dot_general3A_86, %dot_general3A_117 in 0 : vector<96x768xf32>, vector<96x768xf32>, vector<96x768xf32>, vector<96x768xf32> -> vector<384x768xf32>
    %get3A_123 = arith.constant 0 : index
    %get3A_124 = arith.constant 0 : index
    %get3A_125 = vector.load %arg7[%get3A_123, %get3A_124] : memref<768x768xf32, #tpu.memory_space<vmem>>, vector<768x768xf32>
    %dot_general3A_126 = arith.constant dense<0.000000e+00> : vector<384x768xf32>
    %dot_general3A_127 = tpu.matmul %concatenate3A_122, %get3A_125, %dot_general3A_126 {dimension_numbers = #tpu.dot_dimension_numbers<[1], [0], [0], [1], [0, 0, 1, 1], [], []>, transpose_lhs_hint = false} : vector<384x768xf32>, vector<768x768xf32>, vector<384x768xf32> -> vector<384x768xf32>
    %reshape3A_128 = vector.shape_cast %dot_general3A_127 : vector<384x768xf32> to vector<4x12x8x768xf32>
    %iota3A = tpu.iota {dimensions = array<i32: 1>} : vector<4x12x8x768xi32>
    %iota3A_129 = tpu.iota {dimensions = array<i32: 3>} : vector<4x12x8x768xi32>
    %jit3A = arith.constant 64 : i32
    %div3A_130 = vector.broadcast %jit3A : i32 to vector<4x12x8x768xi32>
    %div3A_131 = arith.divsi %iota3A_129, %div3A_130 : vector<4x12x8x768xi32>
    %sign3A = arith.constant 0 : i32
    %sign3A_132 = vector.broadcast %sign3A : i32 to vector<4x12x8x768xi32>
    %sign3A_133 = arith.cmpi sgt, %iota3A_129, %sign3A_132 : vector<4x12x8x768xi32>
    %sign3A_134 = arith.extui %sign3A_133 : vector<4x12x8x768xi1> to vector<4x12x8x768xi32>
    %sign3A_135 = arith.constant 0 : i32
    %sign3A_136 = vector.broadcast %sign3A_135 : i32 to vector<4x12x8x768xi32>
    %sign3A_137 = arith.cmpi slt, %iota3A_129, %sign3A_136 : vector<4x12x8x768xi32>
    %sign3A_138 = arith.extui %sign3A_137 : vector<4x12x8x768xi1> to vector<4x12x8x768xi32>
    %sign3A_139 = arith.subi %sign3A_134, %sign3A_138 : vector<4x12x8x768xi32>
    %sign3A_140 = arith.constant 0 : i32
    %sign3A_141 = arith.cmpi sgt, %jit3A, %sign3A_140 : i32
    %sign3A_142 = arith.extui %sign3A_141 : i1 to i32
    %sign3A_143 = arith.constant 0 : i32
    %sign3A_144 = arith.cmpi slt, %jit3A, %sign3A_143 : i32
    %sign3A_145 = arith.extui %sign3A_144 : i1 to i32
    %sign3A_146 = arith.subi %sign3A_142, %sign3A_145 : i32
    %ne3A = vector.broadcast %sign3A_146 : i32 to vector<4x12x8x768xi32>
    %ne3A_147 = arith.cmpi ne, %sign3A_139, %ne3A : vector<4x12x8x768xi32>
    %rem3A = vector.broadcast %jit3A : i32 to vector<4x12x8x768xi32>
    %rem3A_148 = arith.remsi %iota3A_129, %rem3A : vector<4x12x8x768xi32>
    %ne3A_149 = arith.constant 0 : i32
    %ne3A_150 = vector.broadcast %ne3A_149 : i32 to vector<4x12x8x768xi32>
    %ne3A_151 = arith.cmpi ne, %rem3A_148, %ne3A_150 : vector<4x12x8x768xi32>
    %and3A = arith.andi %ne3A_147, %ne3A_151 : vector<4x12x8x768xi1>
    %sub3A_152 = arith.constant 1 : i32
    %sub3A_153 = vector.broadcast %sub3A_152 : i32 to vector<4x12x8x768xi32>
    %sub3A_154 = arith.subi %div3A_131, %sub3A_153 : vector<4x12x8x768xi32>
    %select_n3A = arith.select %and3A, %sub3A_154, %div3A_131 : vector<4x12x8x768xi1>, vector<4x12x8x768xi32>
    %eq3A_155 = arith.cmpi eq, %iota3A, %select_n3A : vector<4x12x8x768xi32>
    %jit3A_156 = arith.constant 0.000000e+00 : f32
    %broadcast_in_dim3A_157 = vector.broadcast %jit3A_156 : f32 to vector<4x12x8x768xf32>
    %select_n3A_158 = arith.select %eq3A_155, %reshape3A_128, %broadcast_in_dim3A_157 : vector<4x12x8x768xi1>, vector<4x12x8x768xf32>
    %reduce_sum3A_159 = arith.constant dense<0.000000e+00> : vector<4x8x768xf32>
    %reduce_sum3A_160 = vector.multi_reduction <add>, %select_n3A_158, %reduce_sum3A_159 [1] : vector<4x12x8x768xf32> to vector<4x8x768xf32>
    %reshape3A_161 = vector.shape_cast %reduce_sum3A_160 : vector<4x8x768xf32> to vector<32x768xf32>
    %get3A_162 = arith.constant 0 : index
    %get3A_163 = arith.constant 0 : index
    %get3A_164 = vector.load %arg8[%get3A_162, %get3A_163] : memref<1x768xf32, #tpu.memory_space<vmem>>, vector<1x768xf32>
    %add3A_165 = vector.broadcast %get3A_164 : vector<1x768xf32> to vector<32x768xf32>
    %add3A_166 = arith.addf %reshape3A_161, %add3A_165 : vector<32x768xf32>
    %get3A_167 = arith.constant 0 : index
    %get3A_168 = arith.constant 0 : index
    %get3A_169 = vector.load %arg9[%get3A_167, %get3A_168] : memref<768x768xf32, #tpu.memory_space<vmem>>, vector<768x768xf32>
    %dot_general3A_170 = arith.constant dense<0.000000e+00> : vector<32x768xf32>
    %dot_general3A_171 = tpu.matmul %add3A_166, %get3A_169, %dot_general3A_170 {dimension_numbers = #tpu.dot_dimension_numbers<[1], [0], [0], [1], [0, 0, 1, 1], [], []>, transpose_lhs_hint = false} : vector<32x768xf32>, vector<768x768xf32>, vector<32x768xf32> -> vector<32x768xf32>
    %get3A_172 = arith.constant 0 : index
    %get3A_173 = arith.constant 0 : index
    %get3A_174 = vector.load %arg10[%get3A_172, %get3A_173] : memref<1x768xf32, #tpu.memory_space<vmem>>, vector<1x768xf32>
    %add3A_175 = vector.broadcast %get3A_174 : vector<1x768xf32> to vector<32x768xf32>
    %add3A_176 = arith.addf %dot_general3A_171, %add3A_175 : vector<32x768xf32>
    %reshape3A_177 = vector.shape_cast %add3A_176 : vector<32x768xf32> to vector<4x8x768xf32>
    %swap3A_178 = arith.constant 0 : index
    %swap3A_179 = arith.constant 0 : index
    %swap3A_180 = arith.constant 0 : index
    %swap3A_181 = vector.load %arg15[%swap3A_178, %swap3A_179, %swap3A_180] : memref<4x8x768xf32, #tpu.memory_space<vmem>>, vector<4x8x768xf32>
    tpu.vector_store %arg15[%swap3A_178, %swap3A_179, %swap3A_180], %reshape3A_177 {strides = array<i32>} : memref<4x8x768xf32, #tpu.memory_space<vmem>>, vector<4x8x768xf32>,
    %reduce_sum3A_182 = arith.constant dense<0.000000e+00> : vector<32xf32>
    %reduce_sum3A_183 = vector.multi_reduction <add>, %add3A_176, %reduce_sum3A_182 [1] : vector<32x768xf32> to vector<32xf32>
    %broadcast_in_dim3A_184 = vector.shape_cast %reduce_sum3A_183 : vector<32xf32> to vector<32x1xf32>
    %div3A_185 = arith.constant 7.680000e+02 : f32
    %div3A_186 = vector.broadcast %div3A_185 : f32 to vector<32x1xf32>
    %div3A_187 = arith.divf %broadcast_in_dim3A_184, %div3A_186 : vector<32x1xf32>
    %sub3A_188 = vector.broadcast %div3A_187 : vector<32x1xf32> to vector<32x768xf32>
    %sub3A_189 = arith.subf %add3A_176, %sub3A_188 : vector<32x768xf32>
    %mul3A_190 = arith.mulf %sub3A_189, %sub3A_189 : vector<32x768xf32>
    %reduce_sum3A_191 = arith.constant dense<0.000000e+00> : vector<32xf32>
    %reduce_sum3A_192 = vector.multi_reduction <add>, %mul3A_190, %reduce_sum3A_191 [1] : vector<32x768xf32> to vector<32xf32>
    %broadcast_in_dim3A_193 = vector.shape_cast %reduce_sum3A_192 : vector<32xf32> to vector<32x1xf32>
    %div3A_194 = arith.constant 7.680000e+02 : f32
    %div3A_195 = vector.broadcast %div3A_194 : f32 to vector<32x1xf32>
    %div3A_196 = arith.divf %broadcast_in_dim3A_193, %div3A_195 : vector<32x1xf32>
    %add3A_197 = arith.constant 9.99999974E-6 : f32
    %add3A_198 = vector.broadcast %add3A_197 : f32 to vector<32x1xf32>
    %add3A_199 = arith.addf %div3A_196, %add3A_198 : vector<32x1xf32>
    %rsqrt3A = math.rsqrt %add3A_199 : vector<32x1xf32>
    %mul3A_200 = vector.broadcast %rsqrt3A : vector<32x1xf32> to vector<32x768xf32>
    %mul3A_201 = arith.mulf %sub3A_189, %mul3A_200 : vector<32x768xf32>
    %get3A_202 = arith.constant 0 : index
    %get3A_203 = arith.constant 0 : index
    %get3A_204 = vector.load %arg11[%get3A_202, %get3A_203] : memref<1x768xf32, #tpu.memory_space<vmem>>, vector<1x768xf32>
    %mul3A_205 = vector.broadcast %get3A_204 : vector<1x768xf32> to vector<32x768xf32>
    %mul3A_206 = arith.mulf %mul3A_201, %mul3A_205 : vector<32x768xf32>
    %get3A_207 = arith.constant 0 : index
    %get3A_208 = arith.constant 0 : index
    %get3A_209 = vector.load %arg12[%get3A_207, %get3A_208] : memref<1x768xf32, #tpu.memory_space<vmem>>, vector<1x768xf32>
    %add3A_210 = vector.broadcast %get3A_209 : vector<1x768xf32> to vector<32x768xf32>
    %add3A_211 = arith.addf %mul3A_206, %add3A_210 : vector<32x768xf32>
    %reshape3A_212 = vector.shape_cast %add3A_211 : vector<32x768xf32> to vector<4x8x768xf32>
    %swap3A_213 = arith.constant 0 : index
    %swap3A_214 = arith.constant 0 : index
    %swap3A_215 = arith.constant 0 : index
    %swap3A_216 = vector.load %arg16[%swap3A_213, %swap3A_214, %swap3A_215] : memref<4x8x768xf32, #tpu.memory_space<vmem>>, vector<4x8x768xf32>
    tpu.vector_store %arg16[%swap3A_213, %swap3A_214, %swap3A_215], %reshape3A_212 {strides = array<i32>} : memref<4x8x768xf32, #tpu.memory_space<vmem>>, vector<4x8x768xf32>,
    %get3A_217 = arith.constant 0 : index
    %get3A_218 = arith.constant 0 : index
    %get3A_219 = vector.load %arg13[%get3A_217, %get3A_218] : memref<768x16xf32, #tpu.memory_space<vmem>>, vector<768x16xf32>
    %dot_general3A_220 = arith.constant dense<0.000000e+00> : vector<32x16xf32>
    %dot_general3A_221 = tpu.matmul %add3A_211, %get3A_219, %dot_general3A_220 {dimension_numbers = #tpu.dot_dimension_numbers<[1], [0], [0], [1], [0, 0, 1, 1], [], []>, transpose_lhs_hint = false} : vector<32x768xf32>, vector<768x16xf32>, vector<32x16xf32> -> vector<32x16xf32>
    %get3A_222 = arith.constant 0 : index
    %get3A_223 = arith.constant 0 : index
    %get3A_224 = vector.load %arg14[%get3A_222, %get3A_223] : memref<1x16xf32, #tpu.memory_space<vmem>>, vector<1x16xf32>
    %add3A_225 = vector.broadcast %get3A_224 : vector<1x16xf32> to vector<32x16xf32>
    %add3A_226 = arith.addf %dot_general3A_221, %add3A_225 : vector<32x16xf32>
    %reshape3A_227 = vector.shape_cast %add3A_226 : vector<32x16xf32> to vector<4x8x16xf32>
    %swap3A_228 = arith.constant 0 : index
    %swap3A_229 = arith.constant 0 : index
    %swap3A_230 = arith.constant 0 : index
    %swap3A_231 = vector.load %arg18[%swap3A_228, %swap3A_229, %swap3A_230] : memref<4x8x16xf32, #tpu.memory_space<vmem>>, vector<4x8x16xf32>
    tpu.vector_store %arg18[%swap3A_228, %swap3A_229, %swap3A_230], %reshape3A_227 {strides = array<i32>} : memref<4x8x16xf32, #tpu.memory_space<vmem>>, vector<4x8x16xf32>,
    %mul3A_232 = arith.constant 4 : i32
    %mul3A_233 = arith.muli %arg0, %mul3A_232 : i32
    %mul3A_234 = arith.constant 8 : i32
    %mul3A_235 = arith.muli %mul3A_233, %mul3A_234 : i32
    %swap3A_236 = arith.index_cast %mul3A_235 : i32 to index
    %swap3A_237 = arith.constant 0 : index
    %swap3A_238 = vector.load %arg22[%swap3A_236, %swap3A_237] : memref<64x16xf32, #tpu.memory_space<vmem>>, vector<32x16xf32>
    tpu.vector_store %arg22[%swap3A_236, %swap3A_237], %add3A_226 {strides = array<i32>} : memref<64x16xf32, #tpu.memory_space<vmem>>, vector<32x16xf32>,
    %eq3A_239 = arith.constant 1 : i32
    %eq3A_240 = arith.cmpi eq, %arg0, %eq3A_239 : i32
    %convert_element_type3A_241 = arith.extui %eq3A_240 : i1 to i32
    %cond3A_242 = arith.constant 0 : i32
    %cond3A_243 = arith.cmpi ne, %convert_element_type3A_241, %cond3A_242 : i32
    scf.if %cond3A_243 {
      %get3A_244 = arith.constant 0 : index
      %get3A_245 = arith.constant 0 : index
      %get3A_246 = vector.load %arg22[%get3A_244, %get3A_245] : memref<64x16xf32, #tpu.memory_space<vmem>>, vector<64x16xf32>
      %reduce_max3A_247 = arith.constant dense<0xFF800000> : vector<64xf32>
      %reduce_max3A_248 = vector.multi_reduction <maximumf>, %get3A_246, %reduce_max3A_247 [1] : vector<64x16xf32> to vector<64xf32>
      %broadcast_in_dim3A_249 = vector.shape_cast %reduce_max3A_248 : vector<64xf32> to vector<64x1xf32>
      %sub3A_250 = vector.broadcast %broadcast_in_dim3A_249 : vector<64x1xf32> to vector<64x16xf32>
      %sub3A_251 = arith.subf %get3A_246, %sub3A_250 : vector<64x16xf32>
      %exp3A_252 = math.exp %sub3A_251 : vector<64x16xf32>
      %reduce_sum3A_253 = arith.constant dense<0.000000e+00> : vector<64xf32>
      %reduce_sum3A_254 = vector.multi_reduction <add>, %exp3A_252, %reduce_sum3A_253 [1] : vector<64x16xf32> to vector<64xf32>
      %broadcast_in_dim3A_255 = vector.shape_cast %reduce_sum3A_254 : vector<64xf32> to vector<64x1xf32>
      %div3A_256 = vector.broadcast %broadcast_in_dim3A_255 : vector<64x1xf32> to vector<64x16xf32>
      %div3A_257 = arith.divf %exp3A_252, %div3A_256 : vector<64x16xf32>
      %iota3A_258 = tpu.iota {dimensions = array<i32: 1>} : vector<64x16xi32>
      %reduce_max3A_259 = arith.constant dense<0xFF800000> : vector<64xf32>
      %reduce_max3A_260 = vector.multi_reduction <maximumf>, %div3A_257, %reduce_max3A_259 [1] : vector<64x16xf32> to vector<64xf32>
      %broadcast_in_dim3A_261 = vector.shape_cast %reduce_max3A_260 : vector<64xf32> to vector<64x1xf32>
      %eq3A_262 = vector.broadcast %broadcast_in_dim3A_261 : vector<64x1xf32> to vector<64x16xf32>
      %eq3A_263 = arith.cmpf oeq, %div3A_257, %eq3A_262 : vector<64x16xf32>
      %jit3A_264 = arith.constant 16 : i32
      %broadcast_in_dim3A_265 = vector.broadcast %jit3A_264 : i32 to vector<64x16xi32>
      %select_n3A_266 = arith.select %eq3A_263, %iota3A_258, %broadcast_in_dim3A_265 : vector<64x16xi1>, vector<64x16xi32>
      %reduce_min3A = arith.constant dense<2147483647> : vector<64xi32>
      %reduce_min3A_267 = vector.multi_reduction <minsi>, %select_n3A_266, %reduce_min3A [1] : vector<64x16xi32> to vector<64xi32>
      %broadcast_in_dim3A_268 = vector.shape_cast %reduce_min3A_267 : vector<64xi32> to vector<64x1xi32>
      %eq3A_269 = vector.broadcast %broadcast_in_dim3A_268 : vector<64x1xi32> to vector<64x16xi32>
      %eq3A_270 = arith.cmpi eq, %iota3A_258, %eq3A_269 : vector<64x16xi32>
      %jit3A_271 = arith.constant -1.000000e+00 : f32
      %broadcast_in_dim3A_272 = vector.broadcast %jit3A_271 : f32 to vector<64x16xf32>
      %select_n3A_273 = arith.select %eq3A_270, %broadcast_in_dim3A_272, %div3A_257 : vector<64x16xi1>, vector<64x16xf32>
      %reduce_max3A_274 = arith.constant dense<0xFF800000> : vector<64xf32>
      %reduce_max3A_275 = vector.multi_reduction <maximumf>, %select_n3A_273, %reduce_max3A_274 [1] : vector<64x16xf32> to vector<64xf32>
      %broadcast_in_dim3A_276 = vector.shape_cast %reduce_max3A_275 : vector<64xf32> to vector<64x1xf32>
      %eq3A_277 = vector.broadcast %broadcast_in_dim3A_276 : vector<64x1xf32> to vector<64x16xf32>
      %eq3A_278 = arith.cmpf oeq, %select_n3A_273, %eq3A_277 : vector<64x16xf32>
      %jit3A_279 = arith.constant 16 : i32
      %broadcast_in_dim3A_280 = vector.broadcast %jit3A_279 : i32 to vector<64x16xi32>
      %select_n3A_281 = arith.select %eq3A_278, %iota3A_258, %broadcast_in_dim3A_280 : vector<64x16xi1>, vector<64x16xi32>
      %reduce_min3A_282 = arith.constant dense<2147483647> : vector<64xi32>
      %reduce_min3A_283 = vector.multi_reduction <minsi>, %select_n3A_281, %reduce_min3A_282 [1] : vector<64x16xi32> to vector<64xi32>
      %broadcast_in_dim3A_284 = vector.shape_cast %reduce_min3A_283 : vector<64xi32> to vector<64x1xi32>
      %add3A_285 = arith.addf %broadcast_in_dim3A_261, %broadcast_in_dim3A_276 : vector<64x1xf32>
      %eq3A_286 = vector.broadcast %broadcast_in_dim3A_268 : vector<64x1xi32> to vector<64x16xi32>
      %eq3A_287 = arith.cmpi eq, %iota3A_258, %eq3A_286 : vector<64x16xi32>
      %div3A_288 = arith.divf %broadcast_in_dim3A_261, %add3A_285 : vector<64x1xf32>
      %jit3A_289 = arith.constant 0.000000e+00 : f32
      %broadcast_in_dim3A_290 = vector.shape_cast %div3A_288 : vector<64x1xf32> to vector<64x1xf32>
      %broadcast_in_dim3A_291 = vector.broadcast %broadcast_in_dim3A_290 : vector<64x1xf32> to vector<64x16xf32>
      %broadcast_in_dim3A_292 = vector.broadcast %jit3A_289 : f32 to vector<64x16xf32>
      %select_n3A_293 = arith.select %eq3A_287, %broadcast_in_dim3A_291, %broadcast_in_dim3A_292 : vector<64x16xi1>, vector<64x16xf32>
      %eq3A_294 = vector.broadcast %broadcast_in_dim3A_284 : vector<64x1xi32> to vector<64x16xi32>
      %eq3A_295 = arith.cmpi eq, %iota3A_258, %eq3A_294 : vector<64x16xi32>
      %div3A_296 = arith.divf %broadcast_in_dim3A_276, %add3A_285 : vector<64x1xf32>
      %jit3A_297 = arith.constant 0.000000e+00 : f32
      %broadcast_in_dim3A_298 = vector.shape_cast %div3A_296 : vector<64x1xf32> to vector<64x1xf32>
      %broadcast_in_dim3A_299 = vector.broadcast %broadcast_in_dim3A_298 : vector<64x1xf32> to vector<64x16xf32>
      %broadcast_in_dim3A_300 = vector.broadcast %jit3A_297 : f32 to vector<64x16xf32>
      %select_n3A_301 = arith.select %eq3A_295, %broadcast_in_dim3A_299, %broadcast_in_dim3A_300 : vector<64x16xi1>, vector<64x16xf32>
      %add3A_302 = arith.addf %select_n3A_293, %select_n3A_301 : vector<64x16xf32>
      %swap3A_303 = arith.constant 0 : index
      %swap3A_304 = arith.constant 0 : index
      %swap3A_305 = vector.load %arg19[%swap3A_303, %swap3A_304] : memref<64x16xf32, #tpu.memory_space<vmem>>, vector<64x16xf32>
      tpu.vector_store %arg19[%swap3A_303, %swap3A_304], %add3A_302 {strides = array<i32>} : memref<64x16xf32, #tpu.memory_space<vmem>>, vector<64x16xf32>,
    } else {
    }
    return
  }
  func.func @transform_0(%arg0: i32) -> (i32, i32, i32) {
    %c0_i32 = arith.constant 0 : i32
    %c0_i32_0 = arith.constant 0 : i32
    %c0_i32_1 = arith.constant 0 : i32
    return %arg0, %c0_i32, %c0_i32_0 : i32, i32, i32
  }
  func.func @transform_1(%arg0: i32) -> (i32, i32, i32) {
    %c0_i32 = arith.constant 0 : i32
    %c0_i32_0 = arith.constant 0 : i32
    %c0_i32_1 = arith.constant 0 : i32
    %c0_i32_2 = arith.constant 0 : i32
    return %c0_i32, %c0_i32_0, %c0_i32_1 : i32, i32, i32
  }
  func.func @transform_2(%arg0: i32) -> (i32, i32) {
    %c0_i32 = arith.constant 0 : i32
    %c0_i32_0 = arith.constant 0 : i32
    %c0_i32_1 = arith.constant 0 : i32
    return %c0_i32, %c0_i32_0 : i32, i32
  }
  func.func @transform_3(%arg0: i32) -> (i32, i32) {
    %c0_i32 = arith.constant 0 : i32
    %c0_i32_0 = arith.constant 0 : i32
    %c0_i32_1 = arith.constant 0 : i32
    return %c0_i32, %c0_i32_0 : i32, i32
  }
  func.func @transform_4(%arg0: i32) -> (i32, i32) {
    %c0_i32 = arith.constant 0 : i32
    %c0_i32_0 = arith.constant 0 : i32
    %c0_i32_1 = arith.constant 0 : i32
    return %c0_i32, %c0_i32_0 : i32, i32
  }
  func.func @transform_5(%arg0: i32) -> (i32, i32) {
    %c0_i32 = arith.constant 0 : i32
    %c0_i32_0 = arith.constant 0 : i32
    %c0_i32_1 = arith.constant 0 : i32
    return %c0_i32, %c0_i32_0 : i32, i32
  }
  func.func @transform_6(%arg0: i32) -> (i32, i32) {
    %c0_i32 = arith.constant 0 : i32
    %c0_i32_0 = arith.constant 0 : i32
    %c0_i32_1 = arith.constant 0 : i32
    return %c0_i32, %c0_i32_0 : i32, i32
  }
  func.func @transform_7(%arg0: i32) -> (i32, i32) {
    %c0_i32 = arith.constant 0 : i32
    %c0_i32_0 = arith.constant 0 : i32
    %c0_i32_1 = arith.constant 0 : i32
    return %c0_i32, %c0_i32_0 : i32, i32
  }
  func.func @transform_8(%arg0: i32) -> (i32, i32) {
    %c0_i32 = arith.constant 0 : i32
    %c0_i32_0 = arith.constant 0 : i32
    %c0_i32_1 = arith.constant 0 : i32
    return %c0_i32, %c0_i32_0 : i32, i32
  }
  func.func @transform_9(%arg0: i32) -> (i32, i32) {
    %c0_i32 = arith.constant 0 : i32
    %c0_i32_0 = arith.constant 0 : i32
    %c0_i32_1 = arith.constant 0 : i32
    return %c0_i32, %c0_i32_0 : i32, i32
  }
  func.func @transform_10(%arg0: i32) -> (i32, i32) {
    %c0_i32 = arith.constant 0 : i32
    %c0_i32_0 = arith.constant 0 : i32
    %c0_i32_1 = arith.constant 0 : i32
    return %c0_i32, %c0_i32_0 : i32, i32
  }
  func.func @transform_11(%arg0: i32) -> (i32, i32) {
    %c0_i32 = arith.constant 0 : i32
    %c0_i32_0 = arith.constant 0 : i32
    %c0_i32_1 = arith.constant 0 : i32
    return %c0_i32, %c0_i32_0 : i32, i32
  }
  func.func @transform_12(%arg0: i32) -> (i32, i32) {
    %c0_i32 = arith.constant 0 : i32
    %c0_i32_0 = arith.constant 0 : i32
    %c0_i32_1 = arith.constant 0 : i32
    return %c0_i32, %c0_i32_0 : i32, i32
  }
  func.func @transform_13(%arg0: i32) -> (i32, i32) {
    %c0_i32 = arith.constant 0 : i32
    %c0_i32_0 = arith.constant 0 : i32
    %c0_i32_1 = arith.constant 0 : i32
    return %c0_i32, %c0_i32_0 : i32, i32
  }
  func.func @transform_14(%arg0: i32) -> (i32, i32, i32) {
    %c0_i32 = arith.constant 0 : i32
    %c0_i32_0 = arith.constant 0 : i32
    %c0_i32_1 = arith.constant 0 : i32
    return %arg0, %c0_i32, %c0_i32_0 : i32, i32, i32
  }
  func.func @transform_15(%arg0: i32) -> (i32, i32, i32) {
    %c0_i32 = arith.constant 0 : i32
    %c0_i32_0 = arith.constant 0 : i32
    %c0_i32_1 = arith.constant 0 : i32
    return %arg0, %c0_i32, %c0_i32_0 : i32, i32, i32
  }
  func.func @transform_16(%arg0: i32) -> (i32, i32, i32, i32) {
    %c0_i32 = arith.constant 0 : i32
    %c0_i32_0 = arith.constant 0 : i32
    %c0_i32_1 = arith.constant 0 : i32
    %c0_i32_2 = arith.constant 0 : i32
    return %arg0, %c0_i32, %c0_i32_0, %c0_i32_1 : i32, i32, i32, i32
  }
  func.func @transform_17(%arg0: i32) -> (i32, i32, i32) {
    %c0_i32 = arith.constant 0 : i32
    %c0_i32_0 = arith.constant 0 : i32
    %c0_i32_1 = arith.constant 0 : i32
    return %arg0, %c0_i32, %c0_i32_0 : i32, i32, i32
  }
  func.func @transform_18(%arg0: i32) -> (i32, i32) {
    %c0_i32 = arith.constant 0 : i32
    %c0_i32_0 = arith.constant 0 : i32
    %c0_i32_1 = arith.constant 0 : i32
    return %c0_i32, %c0_i32_0 : i32, i32
  }
}

module attributes {stable_mosaic.version = 14 : i64} {
  func.func @_ffn_body(%arg0: i32, %arg1: i32, %arg2: memref<64x768xf32, #tpu.memory_space<vmem>>, %arg3: memref<64x16xf32, #tpu.memory_space<vmem>>, %arg4: memref<64x768xf32, #tpu.memory_space<vmem>>, %arg5: memref<1x768x1536xf32, #tpu.memory_space<vmem>>, %arg6: memref<1x1x1536xf32, #tpu.memory_space<vmem>>, %arg7: memref<1x1536x768xf32, #tpu.memory_space<vmem>>, %arg8: memref<1x1x768xf32, #tpu.memory_space<vmem>>, %arg9: memref<64x768xf32, #tpu.memory_space<vmem>>) attributes {dimension_semantics = [#tpu.dimension_semantics<arbitrary>, #tpu.dimension_semantics<arbitrary>], iteration_bounds = array<i64: 16, 2>, scalar_prefetch = 0 : i64, scratch_operands = 0 : i64, tpu.core_type = #tpu.core_type<tc>, window_params = [{pipeline_mode = #tpu.pipeline_mode<synchronous>, transform_indices = @transform_0, window_bounds = array<i64: 64, 768>}, {pipeline_mode = #tpu.pipeline_mode<synchronous>, transform_indices = @transform_1, window_bounds = array<i64: 64, 16>}, {pipeline_mode = #tpu.pipeline_mode<synchronous>, transform_indices = @transform_2, window_bounds = array<i64: 64, 768>}, {transform_indices = @transform_3, window_bounds = array<i64: 1, 768, 1536>}, {transform_indices = @transform_4, window_bounds = array<i64: 1, 1, 1536>}, {transform_indices = @transform_5, window_bounds = array<i64: 1, 1536, 768>}, {transform_indices = @transform_6, window_bounds = array<i64: 1, 1, 768>}, {pipeline_mode = #tpu.pipeline_mode<synchronous>, transform_indices = @transform_7, window_bounds = array<i64: 64, 768>}]} {
    %eq3A = arith.constant 0 : i32
    %eq3A_0 = arith.cmpi eq, %arg0, %eq3A : i32
    %eq3A_1 = arith.constant 0 : i32
    %eq3A_2 = arith.cmpi eq, %arg1, %eq3A_1 : i32
    %and3A = arith.andi %eq3A_0, %eq3A_2 : i1
    %convert_element_type3A = arith.extui %and3A : i1 to i32
    %cond3A = arith.constant 0 : i32
    %cond3A_3 = arith.cmpi ne, %convert_element_type3A, %cond3A : i32
    scf.if %cond3A_3 {
      %get3A_61 = arith.constant 0 : index
      %get3A_62 = arith.constant 0 : index
      %get3A_63 = vector.load %arg4[%get3A_61, %get3A_62] : memref<64x768xf32, #tpu.memory_space<vmem>>, vector<64x768xf32>
      %swap3A_64 = arith.constant 0 : index
      %swap3A_65 = arith.constant 0 : index
      %swap3A_66 = vector.load %arg9[%swap3A_64, %swap3A_65] : memref<64x768xf32, #tpu.memory_space<vmem>>, vector<64x768xf32>
      tpu.vector_store %arg9[%swap3A_64, %swap3A_65], %get3A_63 {strides = array<i32>} : memref<64x768xf32, #tpu.memory_space<vmem>>, vector<64x768xf32>,
    } else {
    }
    %iota3A = tpu.iota {dimensions = array<i32: 0>} : vector<16x1xi32>
    %eq3A_4 = vector.broadcast %arg0 : i32 to vector<16x1xi32>
    %eq3A_5 = arith.cmpi eq, %iota3A, %eq3A_4 : vector<16x1xi32>
    %convert_element_type3A_6 = arith.extui %eq3A_5 : vector<16x1xi1> to vector<16x1xi32>
    %convert_element_type3A_7 = arith.sitofp %convert_element_type3A_6 : vector<16x1xi32> to vector<16x1xf32>
    %get3A = arith.constant 0 : index
    %get3A_8 = arith.constant 0 : index
    %get3A_9 = vector.load %arg3[%get3A, %get3A_8] : memref<64x16xf32, #tpu.memory_space<vmem>>, vector<64x16xf32>
    %dot_general3A = arith.constant dense<0.000000e+00> : vector<64x1xf32>
    %dot_general3A_10 = tpu.matmul %get3A_9, %convert_element_type3A_7, %dot_general3A {dimension_numbers = #tpu.dot_dimension_numbers<[1], [0], [0], [1], [0, 0, 1, 1], [], []>, transpose_lhs_hint = false} : vector<64x16xf32>, vector<16x1xf32>, vector<64x1xf32> -> vector<64x1xf32>
    %get3A_11 = arith.constant 0 : index
    %get3A_12 = arith.constant 0 : index
    %get3A_13 = vector.load %arg2[%get3A_11, %get3A_12] : memref<64x768xf32, #tpu.memory_space<vmem>>, vector<64x768xf32>
    %get3A_14 = arith.constant 0 : index
    %get3A_15 = arith.constant 0 : index
    %get3A_16 = arith.constant 0 : index
    %get3A_17 = vector.load %arg5[%get3A_14, %get3A_15, %get3A_16] : memref<1x768x1536xf32, #tpu.memory_space<vmem>>, vector<1x768x1536xf32>
    %get3A_18 = vector.shape_cast %get3A_17 : vector<1x768x1536xf32> to vector<768x1536xf32>
    %dot_general3A_19 = arith.constant dense<0.000000e+00> : vector<64x1536xf32>
    %dot_general3A_20 = tpu.matmul %get3A_13, %get3A_18, %dot_general3A_19 {dimension_numbers = #tpu.dot_dimension_numbers<[1], [0], [0], [1], [0, 0, 1, 1], [], []>, transpose_lhs_hint = false} : vector<64x768xf32>, vector<768x1536xf32>, vector<64x1536xf32> -> vector<64x1536xf32>
    %get3A_21 = arith.constant 0 : index
    %get3A_22 = arith.constant 0 : index
    %get3A_23 = arith.constant 0 : index
    %get3A_24 = vector.load %arg6[%get3A_21, %get3A_22, %get3A_23] : memref<1x1x1536xf32, #tpu.memory_space<vmem>>, vector<1x1x1536xf32>
    %get3A_25 = vector.shape_cast %get3A_24 : vector<1x1x1536xf32> to vector<1x1536xf32>
    %add3A = vector.broadcast %get3A_25 : vector<1x1536xf32> to vector<64x1536xf32>
    %add3A_26 = arith.addf %dot_general3A_20, %add3A : vector<64x1536xf32>
    %integer_pow3A = arith.mulf %add3A_26, %add3A_26 : vector<64x1536xf32>
    %integer_pow3A_27 = arith.mulf %add3A_26, %integer_pow3A : vector<64x1536xf32>
    %mul3A = arith.constant 4.471500e-02 : f32
    %mul3A_28 = vector.broadcast %mul3A : f32 to vector<64x1536xf32>
    %mul3A_29 = arith.mulf %mul3A_28, %integer_pow3A_27 : vector<64x1536xf32>
    %add3A_30 = arith.addf %add3A_26, %mul3A_29 : vector<64x1536xf32>
    %mul3A_31 = arith.constant 0.797884583 : f32
    %mul3A_32 = vector.broadcast %mul3A_31 : f32 to vector<64x1536xf32>
    %mul3A_33 = arith.mulf %mul3A_32, %add3A_30 : vector<64x1536xf32>
    %tanh3A = math.tanh %mul3A_33 : vector<64x1536xf32>
    %add3A_34 = arith.constant 1.000000e+00 : f32
    %add3A_35 = vector.broadcast %add3A_34 : f32 to vector<64x1536xf32>
    %add3A_36 = arith.addf %add3A_35, %tanh3A : vector<64x1536xf32>
    %mul3A_37 = arith.constant 5.000000e-01 : f32
    %mul3A_38 = vector.broadcast %mul3A_37 : f32 to vector<64x1536xf32>
    %mul3A_39 = arith.mulf %mul3A_38, %add3A_36 : vector<64x1536xf32>
    %mul3A_40 = arith.mulf %add3A_26, %mul3A_39 : vector<64x1536xf32>
    %mul3A_41 = vector.broadcast %dot_general3A_10 : vector<64x1xf32> to vector<64x1536xf32>
    %mul3A_42 = arith.mulf %mul3A_40, %mul3A_41 : vector<64x1536xf32>
    %eq3A_43 = arith.constant 0 : i32
    %eq3A_44 = arith.cmpi eq, %arg1, %eq3A_43 : i32
    %convert_element_type3A_45 = arith.extui %eq3A_44 : i1 to i32
    %cond3A_46 = arith.constant 0 : i32
    %cond3A_47 = arith.cmpi ne, %convert_element_type3A_45, %cond3A_46 : i32
    scf.if %cond3A_47 {
      %get3A_61 = arith.constant 0 : index
      %get3A_62 = arith.constant 0 : index
      %get3A_63 = vector.load %arg9[%get3A_61, %get3A_62] : memref<64x768xf32, #tpu.memory_space<vmem>>, vector<64x768xf32>
      %get3A_64 = arith.constant 0 : index
      %get3A_65 = arith.constant 0 : index
      %get3A_66 = arith.constant 0 : index
      %get3A_67 = vector.load %arg8[%get3A_64, %get3A_65, %get3A_66] : memref<1x1x768xf32, #tpu.memory_space<vmem>>, vector<1x1x768xf32>
      %get3A_68 = vector.shape_cast %get3A_67 : vector<1x1x768xf32> to vector<1x768xf32>
      %mul3A_69 = vector.broadcast %dot_general3A_10 : vector<64x1xf32> to vector<64x768xf32>
      %mul3A_70 = vector.broadcast %get3A_68 : vector<1x768xf32> to vector<64x768xf32>
      %mul3A_71 = arith.mulf %mul3A_69, %mul3A_70 : vector<64x768xf32>
      %add3A_72 = arith.addf %get3A_63, %mul3A_71 : vector<64x768xf32>
      %swap3A_73 = arith.constant 0 : index
      %swap3A_74 = arith.constant 0 : index
      %swap3A_75 = vector.load %arg9[%swap3A_73, %swap3A_74] : memref<64x768xf32, #tpu.memory_space<vmem>>, vector<64x768xf32>
      tpu.vector_store %arg9[%swap3A_73, %swap3A_74], %add3A_72 {strides = array<i32>} : memref<64x768xf32, #tpu.memory_space<vmem>>, vector<64x768xf32>,
    } else {
    }
    %get3A_48 = arith.constant 0 : index
    %get3A_49 = arith.constant 0 : index
    %get3A_50 = vector.load %arg9[%get3A_48, %get3A_49] : memref<64x768xf32, #tpu.memory_space<vmem>>, vector<64x768xf32>
    %get3A_51 = arith.constant 0 : index
    %get3A_52 = arith.constant 0 : index
    %get3A_53 = arith.constant 0 : index
    %get3A_54 = vector.load %arg7[%get3A_51, %get3A_52, %get3A_53] : memref<1x1536x768xf32, #tpu.memory_space<vmem>>, vector<1x1536x768xf32>
    %get3A_55 = vector.shape_cast %get3A_54 : vector<1x1536x768xf32> to vector<1536x768xf32>
    %dot_general3A_56 = arith.constant dense<0.000000e+00> : vector<64x768xf32>
    %dot_general3A_57 = tpu.matmul %mul3A_42, %get3A_55, %dot_general3A_56 {dimension_numbers = #tpu.dot_dimension_numbers<[1], [0], [0], [1], [0, 0, 1, 1], [], []>, transpose_lhs_hint = false} : vector<64x1536xf32>, vector<1536x768xf32>, vector<64x768xf32> -> vector<64x768xf32>
    %add3A_58 = arith.addf %get3A_50, %dot_general3A_57 : vector<64x768xf32>
    %swap3A = arith.constant 0 : index
    %swap3A_59 = arith.constant 0 : index
    %swap3A_60 = vector.load %arg9[%swap3A, %swap3A_59] : memref<64x768xf32, #tpu.memory_space<vmem>>, vector<64x768xf32>
    tpu.vector_store %arg9[%swap3A, %swap3A_59], %add3A_58 {strides = array<i32>} : memref<64x768xf32, #tpu.memory_space<vmem>>, vector<64x768xf32>,
    return
  }
  func.func @transform_0(%arg0: i32, %arg1: i32) -> (i32, i32) {
    %c0_i32 = arith.constant 0 : i32
    %c0_i32_0 = arith.constant 0 : i32
    %c0_i32_1 = arith.constant 0 : i32
    return %c0_i32, %c0_i32_0 : i32, i32
  }
  func.func @transform_1(%arg0: i32, %arg1: i32) -> (i32, i32) {
    %c0_i32 = arith.constant 0 : i32
    %c0_i32_0 = arith.constant 0 : i32
    %c0_i32_1 = arith.constant 0 : i32
    return %c0_i32, %c0_i32_0 : i32, i32
  }
  func.func @transform_2(%arg0: i32, %arg1: i32) -> (i32, i32) {
    %c0_i32 = arith.constant 0 : i32
    %c0_i32_0 = arith.constant 0 : i32
    %c0_i32_1 = arith.constant 0 : i32
    return %c0_i32, %c0_i32_0 : i32, i32
  }
  func.func @transform_3(%arg0: i32, %arg1: i32) -> (i32, i32, i32) {
    %c0_i32 = arith.constant 0 : i32
    %c0_i32_0 = arith.constant 0 : i32
    return %arg0, %c0_i32, %arg1 : i32, i32, i32
  }
  func.func @transform_4(%arg0: i32, %arg1: i32) -> (i32, i32, i32) {
    %c0_i32 = arith.constant 0 : i32
    %c0_i32_0 = arith.constant 0 : i32
    return %arg0, %c0_i32, %arg1 : i32, i32, i32
  }
  func.func @transform_5(%arg0: i32, %arg1: i32) -> (i32, i32, i32) {
    %c0_i32 = arith.constant 0 : i32
    %c0_i32_0 = arith.constant 0 : i32
    return %arg0, %arg1, %c0_i32 : i32, i32, i32
  }
  func.func @transform_6(%arg0: i32, %arg1: i32) -> (i32, i32, i32) {
    %c0_i32 = arith.constant 0 : i32
    %c0_i32_0 = arith.constant 0 : i32
    %c0_i32_1 = arith.constant 0 : i32
    return %arg0, %c0_i32, %c0_i32_0 : i32, i32, i32
  }
  func.func @transform_7(%arg0: i32, %arg1: i32) -> (i32, i32) {
    %c0_i32 = arith.constant 0 : i32
    %c0_i32_0 = arith.constant 0 : i32
    %c0_i32_1 = arith.constant 0 : i32
    return %c0_i32, %c0_i32_0 : i32, i32
  }
}

</mosaic_0001>

<sc_bundles>
// kernel: kernel.5.cloned.1.call-start
scs
__scs_entry_jumppad:
0x0: {  	(pc) =	sbr.rel $0x88, $3  }
0x1: {  	(tag) =	ssettag $0x0;
	lr =	simm.s32 $0x1  }
0x2: {  	[smem:$0x3F8F] =	sst lr;
	_ =	strace $0xD0000000  }
0x3: {  	_ = 	snop  }
0x4: {  	_ = 	snop  }
0x5: {  	_ = 	snop  }
0x6: {  	_ = 	snop  }
0x7: {  	_ = 	snop  }
__scs_overlays_trampoline_lowered:
0x8: {  	[smem:$0x3F9E] =	sst s0  }
0x9: {  	[smem:$0x3F9F] =	sst s1  }
0xa: {  	[smem:$0x3FA0] =	sst s2  }
0xb: {  	[smem:$0x3FA1] =	sst s3  }
0xc: {  	[smem:$0x3FA2] =	sst s4  }
0xd: {  	[smem:$0x3FA3] =	sst s5  }
0xe: {  	[smem:$0x3FA4] =	sst s6  }
0xf: {  	[smem:$0x3FA5] =	sst s7  }
0x10: {  	[smem:$0x3FA6] =	sst s8  }
0x11: {  	[smem:$0x3FA7] =	sst s9;
	s0 =	simm.s32 @!p0 $0x0  }
0x12: {  	s1 =	sld [smem:$0x3F8D];
	s0 =	simm.s32 @p0 $0x1  }
0x13: {  	[smem:$0x3FA8] =	sst s0;
	s0 =	simm.s32 @!p1 $0x0  }
0x14: {  	s2 =	sld [smem:$0x3F8C];
	s0 =	simm.s32 @p1 $0x1  }
0x15: {  	[smem:$0x3FA9] =	sst s0;
	s0 =	simm.s32 @!p2 $0x0  }
0x16: {  	s3 =	sld [smem:$0x3FDB];
	s0 =	simm.s32 @p2 $0x1  }
0x17: {  	s4 =	simm.s32 $0x1BF5;
	[smem:$0x3FAB] =	sst s0  }
0x18: {  	s0 =	sld [smem:$0x3F8E];
	_ =	swait.ge [sflag:s4], $0x0  }
0x19: {  	s7 =	sld [smem:$0x3F8F]  }
0x1a: {  	s8 =	sadd.s32 $0xFFFFE003, lr  }
0x1b: {  	s9 =	sadd.s32 $0xFFFFFEF7, lr;
	s5 =	simm.s32 $0xFFFFFFFF;
	p2 =	slt.u32 s8, $0xFFFFF086  }
0x1c: {  	p1 =	slt.u32 s9, $0xF7A;
	s5 =	simm.s32 @!p2 $0x0  }
0x1d: {  	s5 =	simm.s32 @p1 $0x1;
	p0 =	seq.s32 s7, s2  }
0x1e: {  	s7 =	smul.u32 @!p0 $0xF7A, s2;
	p2 =	seq.s32 @!p0 s5, $0x0  }
0x1f: {  	s9 =	smul.u32 $0xF7A, s1;
	s8 =	simm.s32 @!p0 $0x1BF5;
	p2 =	por !p2, p0  }
0x20: {  	[sflag:s8] =	ssyncset.s32 @!p0 $0xFFFFF086;
	s6 =	sadd.s32 @!p0 s3, s7;
	s7 =	simm.s32 @!p0 $0x108  }
0x21: {  	s3 =	sadd.s32 s3, s9;
	s6 =	sadd.s32 @!p0 $0x88, s6;
	s7 =	simm.s32 @p2 $0x1082  }
0x22: {  	[simem:s7], [sflag:s8] =	dma.local @!p0 [hbm:s6], $0xF7A  }
0x23: {  	s9 =	sor.u32 $0xD0000000, s2;
	s6 =	simm.s32 $0x108;
	_ =	swait.ge @!p0 [sflag:s8], $0x0  }
0x24: {  	s3 =	sadd.s32 $0x88, s3;
	s6 =	simm.s32 @!p1 $0x1082;
	[sflag:s4] =	ssyncset.s32 $0xFFFFF086  }
0x25: {  	[simem:s6], [sflag:s4] =	dma.local [hbm:s3], $0xF7A  }
0x26: {  	[smem:$0x3F8F] =	sst s1;
	(tag) =	ssettag s2;
	_ =	strace s9  }
0x27: {  	s1 =	sld [smem:$0x3F9F]  }
0x28: {  	s2 =	sld [smem:$0x3FA0]  }
0x29: {  	s4 =	sld [smem:$0x3FA2]  }
0x2a: {  	p0 =	seq.s32 s5, $0x0;
	s5 =	sld [smem:$0x3FA3]  }
0x2b: {  	s6 =	sld [smem:$0x3FA4]  }
0x2c: {  	s7 =	sld [smem:$0x3FA5]  }
0x2d: {  	s3 =	simm.s32 $0x108;
	s8 =	sld [smem:$0x3FA6]  }
0x2e: {  	s3 =	simm.s32 @!p0 $0x1082;
	s9 =	sld [smem:$0x3FA7]  }
0x2f: {  	lr =	sadd.s32 s0, s3;
	s0 =	sld [smem:$0x3F9E]  }
0x30: {  	s3 =	sld [smem:$0x3FA1]  }
0x31: {  	[smem:$0x3FAA] =	sst s10  }
0x32: {  	s10 =	sld [smem:$0x3FA8];
	_ =	sdelay $0x3  }
0x33: {  	p0 =	seq.s32 s10, $0x1;
	s10 =	sld [smem:$0x3FAA];
	_ =	sdelay $0x3  }
0x34: {  	[smem:$0x3FAA] =	sst s10  }
0x35: {  	s10 =	sld [smem:$0x3FA9];
	_ =	sdelay $0x3  }
0x36: {  	p1 =	seq.s32 s10, $0x1;
	s10 =	sld [smem:$0x3FAA];
	_ =	sdelay $0x3  }
0x37: {  	[smem:$0x3FAA] =	sst s10  }
0x38: {  	s10 =	sld [smem:$0x3FAB]  }
0x39: {  	_ = 	snop;
	(pc) =	sbr.ind lr, $3  }
0x3a: {  	_ = 	snop  }
0x3b: {  	_ = 	snop  }
0x3c: {  	p2 =	seq.s32 s10, $0x1;
	s10 =	sld [smem:$0x3FAA]  }
0x3d: {  	_ =	shalt  }
0x3e: {  	_ =	shalt  }
0x3f: {  	_ =	shalt  }
0x40: {  	_ =	shalt  }
0x41: {  	_ =	shalt  }
0x42: {  	_ =	shalt  }
0x43: {  	_ =	shalt  }
0x44: {  	_ =	shalt  }
0x45: {  	_ =	shalt  }
0x46: {  	_ =	shalt  }
0x47: {  	_ =	shalt  }
0x48: {  	_ =	shalt  }
0x49: {  	_ =	shalt  }
0x4a: {  	_ =	shalt  }
0x4b: {  	_ =	shalt  }
0x4c: {  	_ =	shalt  }
0x4d: {  	_ =	shalt  }
0x4e: {  	_ =	shalt  }
0x4f: {  	_ =	shalt  }
0x50: {  	_ =	shalt  }
0x51: {  	_ =	shalt  }
0x52: {  	_ =	shalt  }
0x53: {  	_ =	shalt  }
0x54: {  	_ =	shalt  }
0x55: {  	_ =	shalt  }
0x56: {  	_ =	shalt  }
0x57: {  	_ =	shalt  }
0x58: {  	_ =	shalt  }
0x59: {  	_ =	shalt  }
0x5a: {  	_ =	shalt  }
0x5b: {  	_ =	shalt  }
0x5c: {  	_ =	shalt  }
0x5d: {  	_ =	shalt  }
0x5e: {  	_ =	shalt  }
0x5f: {  	_ =	shalt  }
0x60: {  	_ =	shalt  }
0x61: {  	_ =	shalt  }
0x62: {  	_ =	shalt  }
0x63: {  	_ =	shalt  }
0x64: {  	_ =	shalt  }
0x65: {  	_ =	shalt  }
0x66: {  	_ =	shalt  }
0x67: {  	_ =	shalt  }
0x68: {  	_ =	shalt  }
0x69: {  	_ =	shalt  }
0x6a: {  	_ =	shalt  }
0x6b: {  	_ =	shalt  }
0x6c: {  	_ =	shalt  }
0x6d: {  	_ =	shalt  }
0x6e: {  	_ =	shalt  }
0x6f: {  	_ =	shalt  }
0x70: {  	_ =	shalt  }
0x71: {  	_ =	shalt  }
0x72: {  	_ =	shalt  }
0x73: {  	_ =	shalt  }
0x74: {  	_ =	shalt  }
0x75: {  	_ =	shalt  }
0x76: {  	_ =	shalt  }
0x77: {  	_ =	shalt  }
0x78: {  	_ =	shalt  }
0x79: {  	_ =	shalt  }
0x7a: {  	_ =	shalt  }
0x7b: {  	_ =	shalt  }
0x7c: {  	_ =	shalt  }
0x7d: {  	_ =	shalt  }
0x7e: {  	_ =	shalt  }
0x7f: {  	_ =	shalt  }
0x80: {  	_ =	shalt  }
0x81: {  	_ =	shalt  }
0x82: {  	_ =	shalt  }
0x83: {  	_ =	shalt  }
0x84: {  	_ =	shalt  }
0x85: {  	_ =	shalt  }
0x86: {  	_ =	shalt  }
0x87: {  	_ =	shalt  }
.Lfunc_end0:
.L_simem_size_0:
called_computation_lowered:
.L_overlay_start_0:
0x88: {  	s2 =	sld [smem:$0x3FD9]  }
0x89: {  	s3 =	sld [smem:$0x3FFE];
	_ =	sdelay $0x1  }
0x8a: {  	s1 =	srdreg.scid  }
0x8b: {  	s0 =	sand.u32 $0x1, s1  }
0x8c: {  	s14 =	sshll.u32 s0, $0xA;
	s2 =	sadd.s32 s3, s2  }
0x8d: {  	s2 =	sadd.s32 s2, s14  }
0x8e: {  	[smem:$0x3FB6] =	sst s2  }
0x8f: {  	_ = 	snop  }
0x90: {  	s2 =	sld [smem:$0x3FD0];
	_ =	sdelay $0x2  }
0x91: {  	s15 =	simm.s32 $0xA;
	s4 =	simm.s32 $0x10  }
0x92: {  	[smem:s4], [sflag:s15] =	dma.local [hbm:s2], $0x1  }
0x93: {  	_ =	swait.eq [sflag:s15], $0x1  }
0x94: {  	[sflag:s15] =	ssyncset.done $0x0  }
0x95: {  	s16 =	sld [smem:$0x11];
	[sflag:s15] =	ssyncadd.s32 $0xFFFFFFFF  }
0x96: {  	s17 =	sld [smem:$0x12];
	(tm) =	ssettm $0x1  }
0x97: {  	s18 =	sld [smem:$0x3FFB];
	_ =	sdelay $0x3  }
0x98: {  	_ =	strace s18  }
0x99: {  	s4 =	sld [smem:$0x3FFC];
	_ =	sdelay $0x3  }
0x9a: {  	_ =	strace s4  }
0x9b: {  	s4 =	sld [smem:$0x3FFD];
	_ =	sdelay $0x3  }
0x9c: {  	_ =	strace s4  }
0x9d: {  	_ =	strace $0x8FFFFFFF  }
0x9e: {  	s19 =	sld [smem:$0x3FDB];
	_ =	sdelay $0x1  }
0x9f: {  	s5 =	simm.s32 $_scs_section_size  }
0xa0: {  	s6 =	simm.s32 $_size__tile_overlayer_lowered;
	s7 =	simm.s32 $_tile_overlayer_lowered  }
0xa1: {  	s22 =	simm.s32 $0x1BFF;
	s21 =	sshll.u32 s7, $0x1;
	s4 =	sadd.s32 s5, s19  }
0xa2: {  	s8 =	simm.s32 $0x0;
	s20 =	sshll.u32 s6, $0x1;
	s6 =	sadd.s32 s21, s4  }
0xa3: {  	[timem:s8], [sflag:s22] =	dma.local [hbm:s6], s20  }
0xa4: {  	_ =	swait.ge [sflag:s22], s20  }
0xa5: {  	s5 =	ssub.s32 $0x0, s20;
	[sflag:s22] =	ssyncset.done $0x0  }
0xa6: {  	[sflag:s22] =	ssyncadd.s32 s5;
	_ =	sdelay $0x1  }
0xa7: {  	s23 =	simm.s32 $0x1B8B  }
0xa8: {  	_ =	swait.ge [sflag:s23], $0x1  }
0xa9: {  	[sflag:s23] =	ssyncset.done $0x0  }
0xaa: {  	s25 =	simm.s32 $0x1B8E;
	s24 =	sld [smem:$0x3FFE];
	[sflag:s23] =	ssyncadd.s32 $0xFFFFFFFF  }
0xab: {  	s26 =	simm.s32 $execute0_lowered;
	[smem:$0x3FD2] =	sst s25  }
0xac: {  	s6 =	sshll.u32 s26, $0x1;
	_ =	strace $0x80000046;
	[dreg:$0x1] =	wrdreg $0xFFFFFFFF  }
0xad: {  	s28 =	simm.s32 $_size_execute0_lowered;
	s4 =	sadd.s32 s4, s6;
	[dreg:$0x0] =	wrdreg $0x0  }
0xae: {  	s6 =	sshll.u32 s28, $0x1;
	[dreg:$0x2] =	wrdreg s4  }
0xaf: {  	[dreg:$0x3] =	wrdreg s6  }
0xb0: {  	[dreg:$0x4] =	wrdreg $0xC0  }
0xb1: {  	_ =	task [dreg:s8], $0x5FFFF  }
0xb2: {  	[dreg:$0x1] =	wrdreg $0xFFFFFFFF  }
0xb3: {  	[dreg:$0x0] =	wrdreg $0x60  }
0xb4: {  	[dreg:$0x2] =	wrdreg s24  }
0xb5: {  	[dreg:$0x3] =	wrdreg s17  }
0xb6: {  	[dreg:$0x4] =	wrdreg s16  }
0xb7: {  	[dreg:$0x5] =	wrdreg $0x9  }
0xb8: {  	_ =	task.clear_ibuf [dreg:s8], $0x6FFFF;
	_ =	strace $0x90000046  }
0xb9: {  	s29 =	simm.s32 $0x9;
	_ =	strace $0x80000048  }
0xba: {  	_ =	swait.ge [sflag:s29], $0x1  }
0xbb: {  	[sflag:s29] =	ssyncadd.s32 $0xFFFFFFFF  }
0xbc: {  	_ =	strace $0x90000048  }
0xbd: {  	_ =	sfence  }
0xbe: {  	s30 =	sld [smem:$0x0];
	_ =	sdelay $0x2  }
0xbf: {  	s31 =	sshll.u32 s1, $0xD;
	s1 =	sshrl.u32 s1, $0x2  }
0xc0: {  	s3 =	sand.u32 $0x4000, s31;
	s1 =	sadd.s32 s1, s30  }
0xc1: {  	s0 =	sor.u32 s3, s0;
	s1 =	sshll.u32 s1, $0x11  }
0xc2: {  	s0 =	sor.u32 s1, s0  }
0xc3: {  	s0 =	sadd.s32 $0x8F2B, s0  }
0xc4: {  	[sflag:s0] =	ssyncadd.remote.s32 $0x1  }
0xc5: {  	_ =	sfence.sel $0xFFFF  }
0xc6: {  	[dreg:$0x0] =	wrdreg $0xFFFFFFFF;
	(pc) =	sbr.abs _section_cstart, $3  }
0xc7: {  	[dreg:$0x1] =	wrdreg $0xFFFFFFFF  }
0xc8: {  	_ =	task.clear_ibuf [dreg:s8], $0x2FFFF;
	_ =	strace $0x9FFFFFFF  }
0xc9: {  	(tm) =	ssettm $0x7FFFFFFF  }
tec
execute0_lowered:
.L_overlay_start_1:
0x0: {  	(tag) =	ssettag $0x1  }
0x1: {  	s4 =	rddreg [dreg:$0x0]  }
0x2: {  	s1 =	rddreg [dreg:$0x1]  }
0x3: {  	s2 =	rddreg [dreg:$0x2]  }
0x4: {  	s0 =	rddreg [dreg:$0x3];
	_ =	strace $0x80000047;
	v0 =	vimm.f32 $6.400000000e+01  }
0x5: {  	(erf) = vrcp.f32 v0  }
0x6: {  	s3 =	srdreg.scid  }
0x7: {  	s5 =	sand.u32 $0x1, s3;
	s3 =	stileid.u32  }
0x8: {  	s6 =	sor.u32 s3, s5  }
0x9: {  	p0 =	sne.s32 s6, $0x0  }
.Ltmp0:
0xa: {  	_ = 	snop;
	(pc) =	sbr.rel @p0 .LBB2_5-.Ltmp0, $2  }
0xb: {  	_ =	sdelay $0x2  }
0xc: {  	v0 =	vpop (erf)  }
0xd: {  	v1 =	vimm.s32 $0xEFCDAB89;
	v2 =	vimm.s32 $0x67452301  }
0xe: {  	v3 =	vimm.s32 $0xDCFE98BA;
	v4 =	vimm.s32 $0x54761032;
	v5 =	vimm.s32 $0xBA98FEDC  }
0xf: {  	v6 =	vimm.s32 $0x32107654;
	v7 =	vimm.s32 $0xFEDCBA98;
	v8 =	vimm.s32 $0x76543210  }
0x10: {  	v1 =	vunpack.c.l.s4.s8 v1;
	v2 =	vunpack.c.l.s4.s8 v2;
	v3 =	vunpack.c.l.s4.s8 v3  }
0x11: {  	v4 =	vunpack.c.l.s4.s8 v4;
	v5 =	vunpack.c.l.s4.s8 v5;
	v6 =	vunpack.c.l.s4.s8 v6  }
0x12: {  	v7 =	vunpack.c.l.s4.s8 v7;
	v8 =	vunpack.c.l.s4.s8 v8;
	v1 =	vunpack.c.0.s8.s32 v1  }
0x13: {  	v2 =	vunpack.c.0.s8.s32 v2;
	v3 =	vunpack.c.0.s8.s32 v3;
	v4 =	vunpack.c.0.s8.s32 v4  }
0x14: {  	v5 =	vunpack.c.0.s8.s32 v5;
	v6 =	vunpack.c.0.s8.s32 v6;
	v7 =	vunpack.c.0.s8.s32 v7  }
0x15: {  	v8 =	vunpack.c.0.s8.s32 v8;
	v1 =	vcombine.low v2, v1  }
0x16: {  	s5 =	ssub.s32 $0x2, s5;
	s4 =	sadd.s32 $0x1E00, s4;
	s7 =	simm.s32 $0x1;
	v2 =	vcombine.low v4, v3;
	v3 =	vcombine.low v6, v5;
	v7 =	vand.u32 $0xF, v7  }
0x17: {  	v9 =	vimm.f32 $0.0e+00;
	s8 =	simm.s32 $0x2000;
	s9 =	simm.s32 $0x2080;
	s6 =	sshrl.u32 s5, $0x1;
	v7 =	vcombine.low v7, v8;
	v8 =	vlaneseq.u32  }
0x18: {  	s10 =	simm.s32 $0x0;
	s5 =	ssub.s32 s5, s6;
	s6 =	simm.s32 $0x0;
	v4 =	vand.u32 $0xF, v1;
	v5 =	vand.u32 $0xF, v2;
	v6 =	vand.u32 $0xF, v3  }
.LBB2_2:
0x19: {  	[tilespmem:s6], [sflag:$0x1] =	stream.linear.gather [hbm4b:s4+s6], $0x2000, $0x38;
	[tilespmem:$0x2100] =	vst v63  }
0x1a: {  	_ =	swait.ge [sflag:s7], $0x2000  }
0x1b: {  	[sflag:s7] =	ssyncset.done $0x0  }
0x1c: {  	s11 =	simm.s32 $0x0;
	[sflag:s7] =	ssyncadd.s32 $0xFFFFE000  }
0x1d: {  	v10 =	vld [tilespmem:s11+$0x0];
	_ =	sdelay $0x4  }
0x1e: {  	v11 =	vperm.xlane v10, v4;
	_ =	sdelay $0x1  }
0x1f: {  	v11 =	vmax.f32 v10, v11  }
0x20: {  	v12 =	vperm.xlane v11, v5;
	_ =	sdelay $0x1  }
0x21: {  	v11 =	vmax.f32 v11, v12  }
0x22: {  	v12 =	vperm.xlane v11, v6;
	_ =	sdelay $0x1  }
0x23: {  	v11 =	vmax.f32 v11, v12  }
0x24: {  	v12 =	vperm.xlane v11, v7;
	_ =	sdelay $0x1  }
0x25: {  	v11 =	vmax.f32 v11, v12  }
0x26: {  	v10 =	vsub.f32 v10, v11;
	_ =	sdelay $0x1  }
0x27: {  	v10 =	vmul.f32 $1.442695020e+00, v10;
	_ =	sdelay $0x1  }
0x28: {  	(erf) = vpow2.f32 v10;
	_ =	sdelay $0x1  }
0x29: {  	s26 =	simm.s32 $0x80  }
0x2a: {  	v10 =	vld [tilespmem:s26+$0x0];
	_ =	sdelay $0x4  }
0x2b: {  	v11 =	vperm.xlane v10, v4  }
0x2c: {  	v12 =	vpop (erf)  }
0x2d: {  	v11 =	vmax.f32 v10, v11;
	v13 =	vperm.xlane v12, v4  }
0x2e: {  	v14 =	vperm.xlane v11, v5  }
0x2f: {  	v13 =	vadd.f32 v12, v13  }
0x30: {  	v11 =	vmax.f32 v11, v14  }
0x31: {  	v14 =	vperm.xlane v11, v6;
	v15 =	vperm.xlane v13, v5;
	_ =	sdelay $0x1  }
0x32: {  	v11 =	vmax.f32 v11, v14;
	v13 =	vadd.f32 v13, v15  }
0x33: {  	v14 =	vperm.xlane v11, v7  }
0x34: {  	v15 =	vperm.xlane v13, v6  }
0x35: {  	v11 =	vmax.f32 v11, v14  }
0x36: {  	v10 =	vsub.f32 v10, v11;
	v11 =	vadd.f32 v13, v15;
	_ =	sdelay $0x1  }
0x37: {  	v10 =	vmul.f32 $1.442695020e+00, v10;
	v13 =	vperm.xlane v11, v7;
	_ =	sdelay $0x1  }
0x38: {  	(erf) = vpow2.f32 v10;
	v10 =	vadd.f32 v11, v13  }
0x39: {  	s28 =	simm.s32 $0x100  }
0x3a: {  	v11 =	vld [tilespmem:s28+$0x0];
	(erf) = vrcp.f32 v10;
	_ =	sdelay $0x4  }
0x3b: {  	v10 =	vperm.xlane v11, v4;
	_ =	sdelay $0x1  }
0x3c: {  	v13 =	vpop (erf);
	v10 =	vmax.f32 v11, v10  }
0x3d: {  	v15 =	vperm.xlane v13, v4;
	v14 =	vperm.xlane v10, v5  }
0x3e: {  	v16 =	vpop (erf)  }
0x3f: {  	v10 =	vmax.f32 v10, v14;
	v14 =	vadd.f32 v13, v15;
	v12 =	vmul.f32 v16, v12  }
0x40: {  	v15 =	vperm.xlane v10, v6  }
0x41: {  	v16 =	vperm.xlane v14, v5;
	v17 =	vperm.xlane v12, v4  }
0x42: {  	v10 =	vmax.f32 v10, v15  }
0x43: {  	v15 =	vperm.xlane v10, v7;
	v14 =	vadd.f32 v14, v16;
	v16 =	vmax.f32 v12, v17  }
0x44: {  	v17 =	vperm.xlane v16, v5  }
0x45: {  	v10 =	vmax.f32 v10, v15;
	v15 =	vperm.xlane v14, v6  }
0x46: {  	v10 =	vsub.f32 v11, v10;
	v11 =	vmax.f32 v16, v17  }
0x47: {  	v14 =	vadd.f32 v14, v15;
	v15 =	vperm.xlane v11, v6  }
0x48: {  	v10 =	vmul.f32 $1.442695020e+00, v10  }
0x49: {  	s29 =	simm.s32 $0x180;
	v16 =	vperm.xlane v14, v7;
	v11 =	vmax.f32 v11, v15  }
0x4a: {  	(erf) = vpow2.f32 v10;
	v15 =	vld [tilespmem:s29+$0x0];
	v10 =	vperm.xlane v11, v7  }
0x4b: {  	v14 =	vadd.f32 v14, v16  }
0x4c: {  	v10 =	vmax.f32 v11, v10  }
0x4d: {  	(erf) = vrcp.f32 v14;
	vm0 =	veq.f32 v12, v10  }
0x4e: {  	v10 =	vnsel vm0, $0x10, v8  }
0x4f: {  	v11 =	vperm.xlane v15, v4;
	v14 =	vperm.xlane v10, v4;
	_ =	sdelay $0x1  }
0x50: {  	v11 =	vmax.f32 v15, v11;
	vm0 =	vlt.s32 v10, v14  }
0x51: {  	v16 =	vperm.xlane v11, v5;
	v10 =	vsel vm0, v10, v14  }
0x52: {  	v17 =	vpop (erf);
	v14 =	vperm.xlane v10, v5  }
0x53: {  	v11 =	vmax.f32 v11, v16;
	v16 =	vperm.xlane v17, v4  }
0x54: {  	v18 =	vperm.xlane v11, v6;
	vm0 =	vlt.s32 v10, v14  }
0x55: {  	v19 =	vpop (erf);
	v16 =	vadd.f32 v17, v16;
	v10 =	vsel vm0, v10, v14  }
0x56: {  	s30 =	simm.s32 $0x200;
	v11 =	vmax.f32 v11, v18;
	v18 =	vmul.f32 v19, v13;
	v13 =	vperm.xlane v10, v6  }
0x57: {  	v19 =	vld [tilespmem:s30+$0x0];
	v14 =	vperm.xlane v11, v7;
	v20 =	vperm.xlane v16, v5  }
0x58: {  	v21 =	vperm.xlane v18, v4;
	vm0 =	vlt.s32 v10, v13  }
0x59: {  	v11 =	vmax.f32 v11, v14;
	v14 =	vadd.f32 v16, v20;
	v10 =	vsel vm0, v10, v13  }
0x5a: {  	v11 =	vsub.f32 v15, v11;
	v13 =	vmax.f32 v18, v21;
	v15 =	vperm.xlane v10, v7  }
0x5b: {  	v16 =	vperm.xlane v14, v6;
	v20 =	vperm.xlane v13, v5  }
0x5c: {  	v21 =	vperm.xlane v19, v4;
	v11 =	vmul.f32 $1.442695020e+00, v11;
	vm0 =	vlt.s32 v10, v15  }
0x5d: {  	v14 =	vadd.f32 v14, v16;
	v13 =	vmax.f32 v13, v20;
	v10 =	vsel vm0, v10, v15  }
0x5e: {  	(erf) = vpow2.f32 v11;
	v11 =	vperm.xlane v13, v6;
	vm0 =	veq.s32 v10, v8  }
0x5f: {  	v10 =	vmax.f32 v19, v21;
	v15 =	vperm.xlane v14, v7;
	v16 =	vsel vm0, $0xBF800000, v12  }
0x60: {  	v20 =	vperm.xlane v10, v5;
	v11 =	vmax.f32 v13, v11;
	v13 =	vperm.xlane v16, v4  }
0x61: {  	v14 =	vadd.f32 v14, v15;
	v15 =	vperm.xlane v11, v7  }
0x62: {  	v10 =	vmax.f32 v10, v20;
	v13 =	vmax.f32 v16, v13  }
0x63: {  	(erf) = vrcp.f32 v14;
	v11 =	vmax.f32 v11, v15;
	v15 =	vperm.xlane v10, v6  }
0x64: {  	v14 =	vperm.xlane v13, v5;
	vm1 =	veq.f32 v18, v11  }
0x65: {  	v11 =	vnsel vm1, $0x10, v8;
	v10 =	vmax.f32 v10, v15  }
0x66: {  	v14 =	vmax.f32 v13, v14;
	v15 =	vperm.xlane v11, v4;
	v21 =	vperm.xlane v10, v7  }
0x67: {  	v12 =	vadd.f32 v12, v9;
	v20 =	vperm.xlane v14, v6;
	v13 =	vpop (erf)  }
0x68: {  	v22 =	vperm.xlane v13, v4;
	vm1 =	vlt.s32 v11, v15;
	v10 =	vmax.f32 v10, v21  }
0x69: {  	s31 =	simm.s32 $0x280;
	v20 =	vmax.f32 v14, v20;
	v11 =	vsel vm1, v11, v15;
	v10 =	vsub.f32 v19, v10  }
0x6a: {  	v14 =	vld [tilespmem:s31+$0x0];
	v15 =	vperm.xlane v20, v7;
	v21 =	vadd.f32 v13, v22;
	v22 =	vperm.xlane v11, v5  }
0x6b: {  	v23 =	vadd.f32 v18, v12;
	v10 =	vmul.f32 $1.442695020e+00, v10  }
0x6c: {  	v12 =	vmax.f32 v20, v15;
	v15 =	vperm.xlane v21, v5;
	v19 =	vpop (erf);
	vm1 =	vlt.s32 v11, v22  }
0x6d: {  	vm2 =	veq.f32 v16, v12;
	v12 =	vmul.f32 v19, v17;
	v11 =	vsel vm1, v11, v22  }
0x6e: {  	(erf) = vpow2.f32 v10;
	v16 =	vnsel vm2, $0x10, v8;
	v17 =	vperm.xlane v11, v6  }
0x6f: {  	v20 =	vperm.xlane v14, v4;
	v15 =	vadd.f32 v21, v15;
	v19 =	vperm.xlane v16, v4  }
0x70: {  	v21 =	vperm.xlane v12, v4;
	v10 =	vadd.f32 v12, v23;
	vm1 =	vlt.s32 v11, v17  }
0x71: {  	v22 =	vperm.xlane v15, v6;
	vm2 =	vlt.s32 v16, v19;
	v11 =	vsel vm1, v11, v17  }
0x72: {  	v17 =	vmax.f32 v12, v21;
	v16 =	vsel vm2, v16, v19;
	v19 =	vperm.xlane v11, v7  }
0x73: {  	v20 =	vmax.f32 v14, v20;
	v24 =	vperm.xlane v17, v5;
	v21 =	vperm.xlane v16, v5  }
0x74: {  	v25 =	vperm.xlane v20, v5;
	v22 =	vadd.f32 v15, v22;
	vm1 =	vlt.s32 v11, v19  }
0x75: {  	v17 =	vmax.f32 v17, v24;
	vm2 =	vlt.s32 v16, v21;
	v11 =	vsel vm1, v11, v19  }
0x76: {  	v19 =	vperm.xlane v17, v6;
	v16 =	vsel vm2, v16, v21;
	vm1 =	veq.s32 v11, v8  }
0x77: {  	v21 =	vperm.xlane v22, v7;
	v11 =	vperm.xlane v16, v6;
	v15 =	vsel vm1, $0xBF800000, v18  }
0x78: {  	v23 =	vmax.f32 v20, v25;
	v20 =	vmax.f32 v17, v19;
	v18 =	vperm.xlane v15, v4  }
0x79: {  	v21 =	vadd.f32 v22, v21;
	v22 =	vperm.xlane v20, v7;
	vm2 =	vlt.s32 v16, v11  }
0x7a: {  	vm0 =	vmmov vm0;
	v17 =	vsel vm2, v16, v11;
	v11 =	vperm.xlane v23, v6  }
0x7b: {  	v19 =	vmax.f32 v15, v18;
	v22 =	vmax.f32 v20, v22;
	v18 =	vperm.xlane v17, v7  }
0x7c: {  	(erf) = vrcp.f32 v21;
	v20 =	vperm.xlane v19, v5;
	vm3 =	veq.f32 v12, v22  }
0x7d: {  	s11 =	simm.s32 $0xC00;
	v16 =	vpop (erf);
	v21 =	vmax.f32 v23, v11;
	v11 =	vimm.f32 $0.0e+00;
	vm2 =	vlt.s32 v17, v18  }
.LBB2_3:
0x7e: {  	v22 =	vnsel vm3, $0x10, v8;
	v19 =	vmax.f32 v19, v20  }
0x7f: {  	s12 =	sshra.s32 s11, $0x2;
	p0 =	sne.s32 s11, $0x7E00;
	v17 =	vsel vm2, v17, v18;
	vm2 =	vmmov vm0;
	vm0 =	vmmov vm1  }
0x80: {  	v18 =	vld [tilespmem:s12+$0x0];
	v20 =	vperm.xlane v22, v4;
	v23 =	vperm.xlane v19, v6;
	vm1 =	veq.s32 v17, v8  }
0x81: {  	v24 =	vperm.xlane v16, v4;
	v17 =	vperm.xlane v21, v7;
	vm1 =	vmor vm2, vm1  }
0x82: {  	vm2 =	vlt.s32 v22, v20;
	v19 =	vmax.f32 v19, v23;
	v23 =	vsel vm1, $0x3F800000, v9  }
0x83: {  	v20 =	vsel vm2, v22, v20;
	v25 =	vperm.xlane v19, v7;
	v11 =	vadd.f32 v23, v11  }
0x84: {  	v17 =	vmax.f32 v21, v17;
	v21 =	vadd.f32 v16, v24;
	v23 =	vperm.xlane v20, v5  }
0x85: {  	v17 =	vsub.f32 v14, v17;
	v24 =	vperm.xlane v18, v4;
	v19 =	vmax.f32 v19, v25;
	v14 =	vmovc v18  }
0x86: {  	v18 =	vperm.xlane v21, v5;
	v22 =	vpop (erf);
	vm1 =	vlt.s32 v20, v23;
	vm2 =	veq.f32 v15, v19  }
0x87: {  	v19 =	vmul.f32 v22, v13;
	v15 =	vsel vm1, v20, v23;
	v20 =	vnsel vm2, $0x10, v8;
	v13 =	vmovc v16  }
0x88: {  	v16 =	vmax.f32 v14, v24;
	v22 =	vperm.xlane v15, v6;
	v23 =	vperm.xlane v20, v4  }
0x89: {  	v17 =	vmul.f32 $1.442695020e+00, v17;
	v18 =	vadd.f32 v21, v18;
	v24 =	vperm.xlane v16, v5  }
0x8a: {  	v21 =	vperm.xlane v19, v4;
	vm1 =	vlt.s32 v15, v22;
	vm2 =	vlt.s32 v20, v23  }
0x8b: {  	v25 =	vperm.xlane v18, v6;
	v15 =	vsel vm1, v15, v22;
	v20 =	vsel vm2, v20, v23  }
0x8c: {  	v21 =	vmax.f32 v19, v21;
	v22 =	vperm.xlane v15, v7;
	v23 =	vperm.xlane v20, v5  }
0x8d: {  	v10 =	vadd.f32 v19, v10;
	(erf) = vpow2.f32 v17;
	v17 =	vperm.xlane v21, v5  }
0x8e: {  	v18 =	vadd.f32 v18, v25;
	vm1 =	vlt.s32 v15, v22;
	vm2 =	vlt.s32 v20, v23  }
0x8f: {  	v17 =	vmax.f32 v21, v17;
	v15 =	vsel vm1, v15, v22;
	v20 =	vsel vm2, v20, v23  }
0x90: {  	v21 =	vperm.xlane v17, v6;
	vm1 =	veq.s32 v15, v8;
	v22 =	vperm.xlane v20, v6  }
0x91: {  	v16 =	vmax.f32 v16, v24;
	v23 =	vperm.xlane v18, v7;
	v15 =	vsel vm1, $0xBF800000, v12;
	v12 =	vmovc v19  }
.Ltmp1:
0x92: {  	v21 =	vmax.f32 v17, v21;
	v19 =	vperm.xlane v15, v4;
	vm2 =	vlt.s32 v20, v22;
	(pc) =	sbr.rel @p0 .LBB2_3-.Ltmp1, $4  }
0x93: {  	v23 =	vadd.f32 v18, v23;
	v24 =	vperm.xlane v21, v7;
	v17 =	vsel vm2, v20, v22  }
0x94: {  	v22 =	vperm.xlane v16, v6;
	v19 =	vmax.f32 v15, v19;
	v18 =	vperm.xlane v17, v7  }
0x95: {  	(erf) = vrcp.f32 v23;
	v23 =	vmax.f32 v21, v24;
	v20 =	vperm.xlane v19, v5  }
0x96: {  	s11 =	sadd.s32 $0x200, s11;
	v21 =	vmax.f32 v16, v22;
	v16 =	vpop (erf);
	vm3 =	veq.f32 v12, v23;
	vm2 =	vlt.s32 v17, v18  }
0x97: {  	v22 =	vperm.xlane v21, v7;
	_ =	sdelay $0x1  }
0x98: {  	v21 =	vmax.f32 v21, v22  }
0x99: {  	v14 =	vsub.f32 v14, v21;
	_ =	sdelay $0x1  }
0x9a: {  	v14 =	vmul.f32 $1.442695020e+00, v14;
	_ =	sdelay $0x1  }
0x9b: {  	(erf) = vpow2.f32 v14;
	_ =	sdelay $0x7  }
0x9c: {  	v49 =	vperm.xlane v16, v4;
	v50 =	vpop (erf)  }
0x9d: {  	v51 =	vpop (erf)  }
0x9e: {  	v14 =	vadd.f32 v16, v49;
	v24 =	vperm.xlane v51, v4;
	_ =	sdelay $0x1  }
0x9f: {  	v23 =	vperm.xlane v14, v5;
	v52 =	vadd.f32 v51, v24;
	_ =	sdelay $0x1  }
0xa0: {  	v14 =	vadd.f32 v14, v23;
	v25 =	vperm.xlane v52, v5;
	_ =	sdelay $0x1  }
0xa1: {  	v53 =	vperm.xlane v14, v6;
	v23 =	vadd.f32 v52, v25;
	_ =	sdelay $0x1  }
0xa2: {  	v14 =	vadd.f32 v14, v53;
	v25 =	vperm.xlane v23, v6  }
0xa3: {  	v54 =	vnsel vm3, $0x10, v8;
	v19 =	vmax.f32 v19, v20  }
0xa4: {  	v55 =	vperm.xlane v54, v4;
	v24 =	vperm.xlane v14, v7;
	v23 =	vadd.f32 v23, v25  }
0xa5: {  	v20 =	vperm.xlane v19, v6  }
0xa6: {  	vm3 =	vlt.s32 v54, v55;
	v14 =	vadd.f32 v14, v24;
	v56 =	vperm.xlane v23, v7  }
0xa7: {  	v19 =	vmax.f32 v19, v20;
	v24 =	vsel vm3, v54, v55  }
0xa8: {  	v57 =	vperm.xlane v24, v5;
	(erf) = vrcp.f32 v14;
	v14 =	vadd.f32 v23, v56  }
0xa9: {  	v58 =	vperm.xlane v19, v7  }
0xaa: {  	vm3 =	vlt.s32 v24, v57;
	(erf) = vrcp.f32 v14  }
0xab: {  	v59 =	vmax.f32 v19, v58;
	v60 =	vsel vm3, v24, v57  }
0xac: {  	vm11 =	veq.f32 v15, v59;
	v61 =	vperm.xlane v60, v6  }
0xad: {  	v17 =	vsel vm2, v17, v18;
	v63 =	vnsel vm11, $0x10, v8;
	v14 =	vmul.f32 v50, v13  }
0xae: {  	vm0 =	vmmov vm0;
	v24 =	vperm.xlane v63, v4;
	vm12 =	vlt.s32 v60, v61  }
0xaf: {  	vm1 =	vmmov vm1;
	v19 =	vsel vm12, v60, v61;
	v62 =	vperm.xlane v14, v4  }
0xb0: {  	vm1 =	vmmov vm1;
	vm13 =	vlt.s32 v63, v24;
	v27 =	vperm.xlane v19, v7  }
0xb1: {  	vm3 =	veq.s32 v17, v8;
	v18 =	vsel vm13, v63, v24;
	v25 =	vpop (erf);
	v15 =	vmax.f32 v14, v62  }
0xb2: {  	vm14 =	vlt.s32 v19, v27;
	v13 =	vmul.f32 v25, v16;
	v26 =	vperm.xlane v15, v5  }
0xb3: {  	vm0 =	vmor vm0, vm3;
	v35 =	vperm.xlane v18, v5;
	v16 =	vsel vm14, v19, v27;
	v31 =	vpop (erf)  }
0xb4: {  	v29 =	vperm.xlane v13, v4;
	v28 =	vmax.f32 v15, v26;
	v15 =	vmul.f32 v31, v51  }
0xb5: {  	vm15 =	vlt.s32 v18, v35;
	vm2 =	veq.s32 v16, v8;
	v30 =	vperm.xlane v28, v6  }
0xb6: {  	v12 =	vsel vm2, $0xBF800000, v12;
	v32 =	vmax.f32 v13, v29;
	v21 =	vperm.xlane v15, v4  }
0xb7: {  	v36 =	vperm.xlane v12, v4;
	v34 =	vperm.xlane v32, v5;
	v33 =	vmax.f32 v28, v30  }
0xb8: {  	v18 =	vsel vm15, v18, v35;
	v20 =	vperm.xlane v33, v7;
	v37 =	vmax.f32 v15, v21  }
0xb9: {  	v38 =	vmax.f32 v12, v36;
	v17 =	vmax.f32 v32, v34;
	v39 =	vperm.xlane v37, v5  }
0xba: {  	v23 =	vperm.xlane v38, v5;
	v19 =	vperm.xlane v17, v6;
	v16 =	vmax.f32 v33, v20  }
0xbb: {  	v53 =	vperm.xlane v18, v6;
	vm4 =	veq.f32 v14, v16;
	v16 =	vmax.f32 v37, v39  }
0xbc: {  	v43 =	vmax.f32 v38, v23;
	v17 =	vmax.f32 v17, v19;
	v44 =	vperm.xlane v16, v6  }
0xbd: {  	v23 =	vperm.xlane v43, v6;
	v42 =	vperm.xlane v17, v7;
	v40 =	vnsel vm4, $0x10, v8  }
0xbe: {  	vm15 =	vlt.s32 v18, v53;
	v41 =	vperm.xlane v40, v4;
	v16 =	vmax.f32 v16, v44  }
0xbf: {  	v17 =	vmax.f32 v17, v42;
	v20 =	vmax.f32 v43, v23;
	v47 =	vperm.xlane v16, v7  }
0xc0: {  	vm8 =	veq.f32 v13, v17;
	v23 =	vperm.xlane v20, v7;
	vm5 =	vlt.s32 v40, v41  }
0xc1: {  	v46 =	vnsel vm8, $0x10, v8;
	v19 =	vsel vm5, v40, v41;
	v16 =	vmax.f32 v16, v47  }
0xc2: {  	v48 =	vperm.xlane v46, v4;
	v45 =	vperm.xlane v19, v5;
	vm11 =	veq.f32 v15, v16  }
0xc3: {  	v10 =	vadd.f32 v14, v10;
	v20 =	vmax.f32 v20, v23;
	v51 =	vnsel vm11, $0x10, v8  }
0xc4: {  	vm10 =	vlt.s32 v46, v48;
	vm9 =	vlt.s32 v19, v45;
	v52 =	vperm.xlane v51, v4  }
0xc5: {  	vm12 =	veq.f32 v12, v20;
	v50 =	vsel vm10, v46, v48;
	v17 =	vsel vm9, v19, v45  }
0xc6: {  	v22 =	vperm.xlane v50, v5;
	v49 =	vperm.xlane v17, v6;
	vm6 =	vlt.s32 v51, v52  }
0xc7: {  	v18 =	vsel vm15, v18, v53;
	v20 =	vnsel vm12, $0x10, v8;
	v56 =	vsel vm6, v51, v52  }
0xc8: {  	vm14 =	vlt.s32 v50, v22;
	vm13 =	vlt.s32 v17, v49;
	v58 =	vperm.xlane v56, v5  }
0xc9: {  	v59 =	vperm.xlane v20, v4;
	v55 =	vsel vm14, v50, v22;
	v54 =	vsel vm13, v17, v49  }
0xca: {  	v57 =	vperm.xlane v55, v6;
	v16 =	vperm.xlane v54, v7;
	vm6 =	vlt.s32 v56, v58  }
0xcb: {  	v31 =	vperm.xlane v18, v7;
	vm7 =	vlt.s32 v20, v59;
	v61 =	vsel vm6, v56, v58  }
0xcc: {  	vm9 =	vlt.s32 v55, v57;
	vm8 =	vlt.s32 v54, v16;
	v19 =	vperm.xlane v61, v6  }
0xcd: {  	v20 =	vsel vm7, v20, v59;
	v60 =	vsel vm9, v55, v57;
	v12 =	vsel vm8, v54, v16  }
0xce: {  	v62 =	vperm.xlane v60, v7;
	vm5 =	veq.s32 v12, v8;
	vm6 =	vlt.s32 v61, v19  }
0xcf: {  	v45 =	vsel vm0, $0x3F800000, v9;
	v63 =	vsel vm5, $0xBF800000, v14;
	v28 =	vsel vm6, v61, v19  }
0xd0: {  	vm10 =	vlt.s32 v60, v62;
	v27 =	vperm.xlane v63, v4;
	v30 =	vperm.xlane v28, v7  }
0xd1: {  	v23 =	vperm.xlane v20, v5;
	v11 =	vadd.f32 v45, v11;
	v12 =	vsel vm10, v60, v62  }
0xd2: {  	vm4 =	veq.s32 v12, v8;
	v29 =	vmax.f32 v63, v27;
	vm12 =	vlt.s32 v28, v30  }
0xd3: {  	v32 =	vsel vm4, $0xBF800000, v13;
	v22 =	vperm.xlane v29, v5;
	v12 =	vsel vm12, v28, v30  }
0xd4: {  	vm11 =	vlt.s32 v20, v23;
	v33 =	vperm.xlane v32, v4;
	vm6 =	veq.s32 v12, v8  }
0xd5: {  	v20 =	vsel vm11, v20, v23;
	v17 =	vmax.f32 v29, v22;
	v37 =	vsel vm6, $0xBF800000, v15  }
0xd6: {  	v35 =	vmax.f32 v32, v33;
	v34 =	vperm.xlane v17, v6;
	v39 =	vperm.xlane v37, v4  }
0xd7: {  	vm13 =	vlt.s32 v18, v31;
	v38 =	vperm.xlane v20, v6;
	v36 =	vperm.xlane v35, v5  }
0xd8: {  	v18 =	vsel vm13, v18, v31;
	v16 =	vmax.f32 v17, v34;
	v17 =	vmax.f32 v37, v39  }
0xd9: {  	vm13 =	vmmov vm2;
	v12 =	vmax.f32 v35, v36;
	v41 =	vperm.xlane v17, v5  }
0xda: {  	vm14 =	vlt.s32 v20, v38;
	vm9 =	veq.s32 v18, v8;
	v22 =	vperm.xlane v12, v6  }
0xdb: {  	v20 =	vsel vm14, v20, v38;
	v40 =	vperm.xlane v16, v7;
	v17 =	vmax.f32 v17, v41  }
0xdc: {  	v43 =	vperm.xlane v20, v7;
	v12 =	vmax.f32 v12, v22;
	v19 =	vperm.xlane v17, v6  }
0xdd: {  	vm10 =	vmor vm1, vm9;
	v16 =	vmax.f32 v16, v40;
	v42 =	vperm.xlane v12, v7  }
0xde: {  	vm1 =	vmmov vm13;
	vm15 =	veq.f32 v63, v16;
	v17 =	vmax.f32 v17, v19  }
0xdf: {  	v21 =	vnsel vm15, $0x10, v8;
	v12 =	vmax.f32 v12, v42;
	v46 =	vperm.xlane v17, v7  }
0xe0: {  	vm11 =	vlt.s32 v20, v43;
	v44 =	vperm.xlane v21, v4;
	vm12 =	veq.f32 v32, v12  }
0xe1: {  	v48 =	vsel vm10, $0x3F800000, v9;
	v47 =	vnsel vm12, $0x10, v8;
	v12 =	vmax.f32 v17, v46  }
0xe2: {  	vm3 =	vlt.s32 v21, v44;
	v49 =	vperm.xlane v47, v4;
	vm14 =	veq.f32 v37, v12  }
0xe3: {  	vm13 =	vmmov vm5;
	v16 =	vsel vm3, v21, v44;
	v12 =	vnsel vm14, $0x10, v8  }
0xe4: {  	v21 =	vperm.xlane v16, v5;
	vm7 =	vlt.s32 v47, v49;
	v50 =	vperm.xlane v12, v4  }
0xe5: {  	v18 =	vsel vm11, v20, v43;
	v11 =	vadd.f32 v48, v11;
	v20 =	vsel vm7, v47, v49  }
0xe6: {  	vm15 =	vlt.s32 v16, v21;
	v22 =	vperm.xlane v20, v5;
	vm9 =	vlt.s32 v12, v50  }
0xe7: {  	vm8 =	veq.s32 v18, v8;
	v16 =	vsel vm15, v16, v21;
	v12 =	vsel vm9, v12, v50  }
0xe8: {  	v51 =	vperm.xlane v16, v6;
	vm11 =	vlt.s32 v20, v22;
	v52 =	vperm.xlane v12, v5  }
0xe9: {  	vm0 =	vmor vm1, vm8;
	vm1 =	vmmov vm13;
	v53 =	vsel vm11, v20, v22  }
0xea: {  	vm10 =	vlt.s32 v16, v51;
	v56 =	vperm.xlane v53, v6;
	vm12 =	vlt.s32 v12, v52  }
0xeb: {  	v55 =	vsel vm0, $0x3F800000, v9;
	v16 =	vsel vm10, v16, v51;
	v12 =	vsel vm12, v12, v52  }
0xec: {  	v54 =	vperm.xlane v16, v7;
	vm15 =	vlt.s32 v53, v56;
	v57 =	vperm.xlane v12, v6  }
0xed: {  	v11 =	vadd.f32 v55, v11;
	vm13 =	vmmov vm6;
	v58 =	vsel vm15, v53, v56  }
0xee: {  	vm14 =	vlt.s32 v16, v54;
	v59 =	vperm.xlane v58, v7;
	vm7 =	vlt.s32 v12, v57  }
0xef: {  	vm9 =	vmmov vm4;
	v16 =	vsel vm14, v16, v54;
	v12 =	vsel vm7, v12, v57  }
0xf0: {  	vm5 =	veq.s32 v16, v8;
	vm8 =	vlt.s32 v58, v59;
	v17 =	vperm.xlane v12, v7  }
0xf1: {  	vm10 =	vmmov vm9;
	vm0 =	vmor vm1, vm5;
	v61 =	vsel vm8, v58, v59  }
0xf2: {  	v60 =	vsel vm0, $0x3F800000, v9;
	vm11 =	veq.s32 v61, v8;
	vm12 =	vlt.s32 v12, v17  }
0xf3: {  	v11 =	vadd.f32 v60, v11;
	vm0 =	vmor vm10, vm11;
	v12 =	vsel vm12, v12, v17  }
0xf4: {  	vm14 =	vmmov vm13;
	v62 =	vsel vm0, $0x3F800000, v9;
	vm15 =	veq.s32 v12, v8  }
0xf5: {  	v10 =	vadd.f32 v13, v10;
	v11 =	vadd.f32 v62, v11;
	vm0 =	vmor vm14, vm15  }
0xf6: {  	v63 =	vsel vm0, $0x3F800000, v9  }
0xf7: {  	v10 =	vadd.f32 v15, v10;
	v11 =	vadd.f32 v63, v11;
	_ =	sdelay $0x1  }
0xf8: {  	v10 =	vmul.f32 v10, v0;
	v12 =	vmul.f32 v11, v0;
	_ =	sdelay $0x1  }
0xf9: {  	v10 =	vmul.f32 v10, v12;
	_ =	sdelay $0x1  }
0xfa: {  	v12 =	vperm.xlane v10, v1;
	_ =	sdelay $0x1  }
0xfb: {  	v10 =	vadd.f32 v12, v10;
	_ =	sdelay $0x1  }
0xfc: {  	v12 =	vperm.xlane v10, v2;
	_ =	sdelay $0x1  }
0xfd: {  	v10 =	vadd.f32 v12, v10;
	_ =	sdelay $0x1  }
0xfe: {  	v12 =	vperm.xlane v10, v3;
	_ =	sdelay $0x1  }
0xff: {  	v10 =	vadd.f32 v12, v10;
	_ =	sdelay $0x1  }
0x100: {  	v12 =	vperm.xlane v10, v7;
	_ =	sdelay $0x1  }
0x101: {  	v10 =	vadd.f32 v12, v10;
	_ =	sdelay $0x1  }
0x102: {  	v10 =	vmul.f32 $1.600000000e+01, v10  }
0x103: {  	[tilespmem:$0x2000] =	vst v11  }
0x104: {  	[tilespmem:$0x2080] =	vst v10  }
0x105: {  	[hbm4b:s1+s6] =	stream.linear.scatter [tilespmem:s8], [sflag:$0x1], $0x80, $0x38;
	[tilespmem:$0x2100] =	vst v63  }
0x106: {  	s10 =	sadd.s32 $0x1, s10;
	_ =	swait.ge [sflag:s7], $0x80  }
0x107: {  	p0 =	sne.s32 s10, s5;
	[sflag:s7] =	ssyncset.done $0x0  }
.Ltmp2:
0x108: {  	[sflag:s7] =	ssyncadd.s32 $0xFFFFFF80;
	(pc) =	sbr.rel @p0 .LBB2_2-.Ltmp2, $4  }
0x109: {  	[hbm4b:s2+s6] =	stream.linear.scatter [tilespmem:s9], [sflag:$0x1], $0x80, $0x38;
	[tilespmem:$0x2100] =	vst v63  }
0x10a: {  	_ =	swait.ge [sflag:s7], $0x80  }
0x10b: {  	[sflag:s7] =	ssyncset.done $0x0  }
0x10c: {  	[sflag:s7] =	ssyncadd.s32 $0xFFFFFF80  }
.LBB2_5:
0x10d: {  	_ =	sfence.sel $0x180000  }
0x10e: {  	[bflag:$0x0] =	sbarrier.arrive $0xFFFF  }
0x10f: {  	p0 =	sne.s32 s3, $0x0;
	_ =	strace $0x90000047  }
0x110: {  	s0 =	sadd.s32 @!p0 $0x100000, s0;
	[bflag:$0x2] =	sbarrier.arrive $0xFFFF  }
0x111: {  	[sflag:s0] =	ssyncadd.tile.s32 @!p0 $0x1;
	_ =	shalt  }
.Lfunc_end2:
_tile_overlayer_lowered:
.L_overlay_start_2:
0x112: {  	(tag) =	ssettag $0x2  }
0x113: {  	s0 =	rddreg [dreg:$0x0];
	s2 =	stileid.u32  }
0x114: {  	s1 =	rddreg [dreg:$0x1];
	p0 =	sne.s32 s2, $0x0  }
0x115: {  	s3 =	rddreg [dreg:$0x2];
	[bflag:$0x3] =	sbarrier.arrive $0xFFFF;
	s2 =	simm.s32 @!p0 $0x1C01  }
0x116: {  	[timem:s3], [sflag:s2] =	dma.local @!p0 [hbm:s0], s1  }
0x117: {  	s0 =	simm.s32 @!p0 $0x1  }
0x118: {  	_ =	swait.ge @!p0 [sflag:s0], s1  }
0x119: {  	s1 =	ssub.s32 @!p0 $0x0, s1;
	[sflag:s0] =	ssyncset.done @!p0 $0x0  }
0x11a: {  	[sflag:s0] =	ssyncadd.s32 @!p0 s1  }
0x11b: {  	[bflag:$0x3] =	sbarrier.arrive $0xFFFF  }
0x11c: {  	_ =	shalt  }

</sc_bundles>
